<compile_context>
chip_gen: v7x
topology: tpu7x:2x2x1
jax: 0.10.2.dev20260603
libtpu: 0.0.44.dev20260713+nightly
codegen_flags: <defaults>
</compile_context>

<pallas_src>
import functools

import jax
import jax.numpy as jnp
from jax import lax
from jax.experimental import pallas as pl
from jax.experimental.pallas import tpu as pltpu
from jax.experimental.pallas import tpu_sc as plsc


_BR = 256
_TL = 128


def _tc_body(w_ref, x_ref, o_ref, *, br, n, l):
    w = w_ref[...]
    carry = jnp.zeros((br, l), dtype=jnp.float32)
    for c in range(n // l):
        xc = x_ref[:, c * l : (c + 1) * l]
        y = jnp.dot(xc, w, preferred_element_type=jnp.float32)
        o_ref[:, c * l : (c + 1) * l] = y[:, :l] + carry
        carry = carry + y[:, l:]


def _tc_cumsum(x):
    m, n = x.shape
    tri = jnp.triu(jnp.ones((_TL, _TL), dtype=jnp.float32))
    w = jnp.concatenate([tri, jnp.ones((_TL, _TL), dtype=jnp.float32)], axis=1)
    return pl.pallas_call(
        functools.partial(_tc_body, br=_BR, n=n, l=_TL),
        grid=(m // _BR,),
        in_specs=[
            pl.BlockSpec((_TL, 2 * _TL), lambda i: (0, 0)),
            pl.BlockSpec((_BR, n), lambda i: (i, 0)),
        ],
        out_specs=pl.BlockSpec((_BR, n), lambda i: (i, 0)),
        out_shape=jax.ShapeDtypeStruct((m, n), x.dtype),
        compiler_params=pltpu.CompilerParams(
            dimension_semantics=("parallel",)
        ),
    )(w, x)



_INFO = plsc.get_sparse_core_info()
_NC = _INFO.num_cores
_NS = _INFO.num_subcores
_NW = _NC * _NS
_L = _INFO.num_lanes
_RB = 2


def _make_sc_kernel(m, n):
    rows_per_w = m // _NW
    nb = rows_per_w // _RB
    nb2 = nb // 2
    nchunks = n // _L
    mesh = plsc.VectorSubcoreMesh(core_axis_name="c", subcore_axis_name="s")

    @functools.partial(
        pl.kernel,
        mesh=mesh,
        out_type=jax.ShapeDtypeStruct((m, n), jnp.float32),
        scratch_types=[
            pltpu.VMEM((_RB, n), jnp.float32),
            pltpu.VMEM((_RB, n), jnp.float32),
            pltpu.VMEM((_RB, n), jnp.float32),
            pltpu.VMEM((_RB, n), jnp.float32),
            pltpu.SemaphoreType.DMA,
            pltpu.SemaphoreType.DMA,
            pltpu.SemaphoreType.DMA,
            pltpu.SemaphoreType.DMA,
        ],
        compiler_params=pltpu.CompilerParams(needs_layout_passes=False),
    )
    def k(x_hbm, o_hbm, in0, in1, out0, out1, si0, si1, so0, so1):
        wid = lax.axis_index("s") * _NC + lax.axis_index("c")
        base = wid * rows_per_w

        def rows(b):
            return base + b * _RB

        def compute(in_v, out_v):
            def chunk_body(c, carrys):
                last = jnp.full((_L,), _L - 1, dtype=jnp.int32)
                new_carrys = []
                for r in range(_RB):
                    chunk = in_v[r, pl.ds(c * _L, _L)]
                    s = plsc.cumsum(chunk) + carrys[r]
                    out_v[r, pl.ds(c * _L, _L)] = s
                    new_carrys.append(
                        jnp.take_along_axis(
                            s, last, axis=0, mode="promise_in_bounds"
                        )
                    )
                return tuple(new_carrys)

            lax.fori_loop(
                0, nchunks, chunk_body,
                tuple(jnp.zeros((_L,), jnp.float32) for _ in range(_RB)),
            )

        pltpu.async_copy(x_hbm.at[pl.ds(rows(0), _RB)], in0, si0)

        def body(p, _):
            b0 = 2 * p
            b1 = b0 + 1
            pltpu.async_copy(x_hbm.at[pl.ds(rows(b1), _RB)], in1, si1)
            pltpu.make_async_copy(
                x_hbm.at[pl.ds(rows(b0), _RB)], in0, si0
            ).wait()

            @pl.when(p > 0)
            def _():
                pltpu.make_async_copy(
                    out0, o_hbm.at[pl.ds(rows(b0 - 2), _RB)], so0
                ).wait()

            compute(in0, out0)
            pltpu.async_copy(out0, o_hbm.at[pl.ds(rows(b0), _RB)], so0)

            @pl.when(p < nb2 - 1)
            def _():
                pltpu.async_copy(
                    x_hbm.at[pl.ds(rows(b0 + 2), _RB)], in0, si0
                )

            pltpu.make_async_copy(
                x_hbm.at[pl.ds(rows(b1), _RB)], in1, si1
            ).wait()

            @pl.when(p > 0)
            def _():
                pltpu.make_async_copy(
                    out1, o_hbm.at[pl.ds(rows(b1 - 2), _RB)], so1
                ).wait()

            compute(in1, out1)
            pltpu.async_copy(out1, o_hbm.at[pl.ds(rows(b1), _RB)], so1)
            return 0

        lax.fori_loop(0, nb2, body, 0)
        pltpu.make_async_copy(
            out0, o_hbm.at[pl.ds(rows(nb - 2), _RB)], so0
        ).wait()
        pltpu.make_async_copy(
            out1, o_hbm.at[pl.ds(rows(nb - 1), _RB)], so1
        ).wait()

    return k


@jax.jit
def kernel(x):
    m, n = x.shape
    a = _tc_cumsum(x)
    b = _make_sc_kernel(m, n)(x)
    return a, b

# --- scband reference (transcript-rebuilt; emitter-appended) ---
"""Pipeline reference for scband-model-new-4810363372237 (READ-ONLY COPY).

The authoritative reference and input builder live on the scoring server;
editing this copy changes nothing except your own understanding.
"""

import jax, jax.numpy as jnp
import numpy as np

def setup_inputs(seed: int = 0) -> dict:
    key = jax.random.key(seed)
    x = jax.random.normal(key, (8192, 8192), dtype=jnp.float32)
    return {"x": x}

def reference(x):
    # Faithful translation: inclusive cumulative sum along dim=1
    return jnp.cumsum(x, axis=1)

if __name__ == "__main__":
    import jax
    _d = setup_inputs()
    print(jax.jit(kernel)(*tuple(_d.values())))

</pallas_src>

<mosaic_0001>
#map = affine_map<(d0, d1) -> (0, 0)>
module attributes {stable_mosaic.version = 14 : i64} {
  func.func @k(%arg0: i32, %arg1: i32, %arg2: memref<8192x8192xf32, #tpu.memory_space<hbm>>, %arg3: memref<8192x8192xf32, #tpu.memory_space<hbm>>, %arg4: memref<2x8192xf32, #tpu.memory_space<vmem>>, %arg5: memref<2x8192xf32, #tpu.memory_space<vmem>>, %arg6: memref<2x8192xf32, #tpu.memory_space<vmem>>, %arg7: memref<2x8192xf32, #tpu.memory_space<vmem>>, %arg8: memref<!tpu.dma_semaphore, #tpu.memory_space<semaphore_mem>>, %arg9: memref<!tpu.dma_semaphore, #tpu.memory_space<semaphore_mem>>, %arg10: memref<!tpu.dma_semaphore, #tpu.memory_space<semaphore_mem>>, %arg11: memref<!tpu.dma_semaphore, #tpu.memory_space<semaphore_mem>>) attributes {dimension_semantics = [#tpu.dimension_semantics<core_parallel>, #tpu.dimension_semantics<subcore_parallel>], iteration_bounds = array<i64: 2, 16>, scalar_prefetch = 0 : i64, scratch_operands = 8 : i64, tpu.core_type = #tpu.core_type<sc_vector_subcore>, window_params = [{transform_indices = #map}, {transform_indices = #map}]} {
    %mul3A = arith.constant 2 : i32
    %mul3A_0 = arith.muli %arg1, %mul3A : i32
    %add3A = arith.addi %mul3A_0, %arg0 : i32
    %mul3A_1 = arith.constant 256 : i32
    %mul3A_2 = arith.muli %add3A, %mul3A_1 : i32
    %add3A_3 = arith.constant 0 : i32
    %add3A_4 = arith.addi %mul3A_2, %add3A_3 : i32
    %dma_start3A = arith.constant 0 : i32
    %dma_start3A_5 = tpu.memref_slice %arg2[%add3A_4, %dma_start3A] : memref<8192x8192xf32, #tpu.memory_space<hbm>> -> memref<2x8192xf32, #tpu.memory_space<hbm>>
    %dma_start3A_6 = arith.constant 0 : i32
    %dma_start3A_7 = tpu.memref_slice %arg2[%add3A_4, %dma_start3A_6] : memref<8192x8192xf32, #tpu.memory_space<hbm>> -> memref<2x8192xf32, #tpu.memory_space<hbm>>
    tpu.enqueue_dma source(%dma_start3A_7 : memref<2x8192xf32, #tpu.memory_space<hbm>>) target(%arg4 : memref<2x8192xf32, #tpu.memory_space<vmem>>) target_semaphore(%arg8 : memref<!tpu.dma_semaphore, #tpu.memory_space<semaphore_mem>>)
    %scan3A = arith.constant 0 : i32
    %scan3A_8 = arith.constant 0 : i32
    %scan3A_9 = arith.constant 64 : i32
    %scan3A_10 = arith.addi %scan3A_8, %scan3A_9 : i32
    %scan3A_11 = arith.constant 1 : i32
    %scan3A_12 = scf.for %scan3A_25 = %scan3A_8 to %scan3A_10 step %scan3A_11 iter_args(%scan3A_26 = %scan3A) -> (i32)  : i32 {
      %mul3A_27 = arith.constant 2 : i32
      %mul3A_28 = arith.muli %mul3A_27, %scan3A_25 : i32
      %add3A_29 = arith.constant 1 : i32
      %add3A_30 = arith.addi %mul3A_28, %add3A_29 : i32
      %mul3A_31 = arith.constant 2 : i32
      %mul3A_32 = arith.muli %add3A_30, %mul3A_31 : i32
      %add3A_33 = arith.addi %mul3A_2, %mul3A_32 : i32
      %dma_start3A_34 = arith.constant 0 : i32
      %dma_start3A_35 = tpu.memref_slice %arg2[%add3A_33, %dma_start3A_34] : memref<8192x8192xf32, #tpu.memory_space<hbm>> -> memref<2x8192xf32, #tpu.memory_space<hbm>>
      %dma_start3A_36 = arith.constant 0 : i32
      %dma_start3A_37 = tpu.memref_slice %arg2[%add3A_33, %dma_start3A_36] : memref<8192x8192xf32, #tpu.memory_space<hbm>> -> memref<2x8192xf32, #tpu.memory_space<hbm>>
      tpu.enqueue_dma source(%dma_start3A_37 : memref<2x8192xf32, #tpu.memory_space<hbm>>) target(%arg5 : memref<2x8192xf32, #tpu.memory_space<vmem>>) target_semaphore(%arg9 : memref<!tpu.dma_semaphore, #tpu.memory_space<semaphore_mem>>)
      %mul3A_38 = arith.constant 2 : i32
      %mul3A_39 = arith.muli %mul3A_28, %mul3A_38 : i32
      %add3A_40 = arith.addi %mul3A_2, %mul3A_39 : i32
      %dma_wait3A_41 = arith.constant 0 : i32
      %dma_wait3A_42 = tpu.memref_slice %arg2[%add3A_40, %dma_wait3A_41] : memref<8192x8192xf32, #tpu.memory_space<hbm>> -> memref<2x8192xf32, #tpu.memory_space<hbm>>
      %dma_wait3A_43 = arith.constant 0 : i32
      %dma_wait3A_44 = tpu.memref_slice %arg2[%add3A_40, %dma_wait3A_43] : memref<8192x8192xf32, #tpu.memory_space<hbm>> -> memref<2x8192xf32, #tpu.memory_space<hbm>>
      tpu.wait_dma2 semaphore(%arg8 : memref<!tpu.dma_semaphore, #tpu.memory_space<semaphore_mem>>) src(%dma_wait3A_44 : memref<2x8192xf32, #tpu.memory_space<hbm>>) dst(%arg4 : memref<2x8192xf32, #tpu.memory_space<vmem>>)
      %gt3A = arith.constant 0 : i32
      %gt3A_45 = arith.cmpi sgt, %scan3A_25, %gt3A : i32
      %convert_element_type3A = arith.extui %gt3A_45 : i1 to i32
      %cond3A = arith.constant 0 : i32
      %cond3A_46 = arith.cmpi ne, %convert_element_type3A, %cond3A : i32
      scf.if %cond3A_46 {
        %sub3A = arith.constant 2 : i32
        %sub3A_97 = arith.subi %mul3A_28, %sub3A : i32
        %mul3A_98 = arith.constant 2 : i32
        %mul3A_99 = arith.muli %sub3A_97, %mul3A_98 : i32
        %add3A_100 = arith.addi %mul3A_2, %mul3A_99 : i32
        %dma_wait3A_101 = arith.constant 0 : i32
        %dma_wait3A_102 = tpu.memref_slice %arg3[%add3A_100, %dma_wait3A_101] : memref<8192x8192xf32, #tpu.memory_space<hbm>> -> memref<2x8192xf32, #tpu.memory_space<hbm>>
        %dma_wait3A_103 = arith.constant 0 : i32
        %dma_wait3A_104 = tpu.memref_slice %arg3[%add3A_100, %dma_wait3A_103] : memref<8192x8192xf32, #tpu.memory_space<hbm>> -> memref<2x8192xf32, #tpu.memory_space<hbm>>
        tpu.wait_dma2 semaphore(%arg10 : memref<!tpu.dma_semaphore, #tpu.memory_space<semaphore_mem>>) src(%arg6 : memref<2x8192xf32, #tpu.memory_space<vmem>>) dst(%dma_wait3A_104 : memref<2x8192xf32, #tpu.memory_space<hbm>>)
      } else {
      }
      %broadcast_in_dim3A = arith.constant 0.000000e+00 : f32
      %broadcast_in_dim3A_47 = vector.broadcast %broadcast_in_dim3A : f32 to vector<16xf32>
      %broadcast_in_dim3A_48 = arith.constant 0.000000e+00 : f32
      %broadcast_in_dim3A_49 = vector.broadcast %broadcast_in_dim3A_48 : f32 to vector<16xf32>
      %scan3A_50 = arith.constant 0 : i32
      %scan3A_51 = arith.constant 512 : i32
      %scan3A_52 = arith.addi %scan3A_50, %scan3A_51 : i32
      %scan3A_53 = arith.constant 1 : i32
      %scan3A_54:2 = scf.for %scan3A_97 = %scan3A_50 to %scan3A_52 step %scan3A_53 iter_args(%scan3A_98 = %broadcast_in_dim3A_47, %scan3A_99 = %broadcast_in_dim3A_49) -> (vector<16xf32>, vector<16xf32>)  : i32 {
        %broadcast_in_dim3A_100 = arith.constant 15 : i32
        %broadcast_in_dim3A_101 = vector.broadcast %broadcast_in_dim3A_100 : i32 to vector<16xi32>
        %mul3A_102 = arith.constant 16 : i32
        %mul3A_103 = arith.muli %scan3A_97, %mul3A_102 : i32
        %get3A = arith.constant 0 : i32
        %get3A_104 = arith.index_cast %get3A : i32 to index
        %get3A_105 = arith.index_cast %mul3A_103 : i32 to index
        %get3A_106 = tpu.vector_load %arg4[%get3A_104, %get3A_105] {strides = array<i32>} : memref<2x8192xf32, #tpu.memory_space<vmem>>, vector<16xf32>,
        %broadcast_in_dim3A_107 = arith.constant true
        %broadcast_in_dim3A_108 = vector.broadcast %broadcast_in_dim3A_107 : i1 to vector<16xi1>
        %masked_cumsum3A = tpu.scan <sum>, %get3A_106 masked %broadcast_in_dim3A_108 : vector<16xf32>, vector<16xi1> -> vector<16xf32>
        %add3A_109 = arith.addf %masked_cumsum3A, %scan3A_98 : vector<16xf32>
        %mul3A_110 = arith.constant 16 : i32
        %mul3A_111 = arith.muli %scan3A_97, %mul3A_110 : i32
        %swap3A = arith.constant 0 : i32
        %swap3A_112 = arith.index_cast %swap3A : i32 to index
        %swap3A_113 = arith.index_cast %mul3A_111 : i32 to index
        %swap3A_114 = tpu.vector_load %arg6[%swap3A_112, %swap3A_113] {strides = array<i32>} : memref<2x8192xf32, #tpu.memory_space<vmem>>, vector<16xf32>,
        tpu.vector_store %arg6[%swap3A_112, %swap3A_113], %add3A_109 {strides = array<i32>} : memref<2x8192xf32, #tpu.memory_space<vmem>>, vector<16xf32>,
        %reshape3A = vector.shape_cast %broadcast_in_dim3A_101 : vector<16xi32> to vector<16x1xi32>
        %gather3A = vector.shape_cast %reshape3A : vector<16x1xi32> to vector<16xi32>
        %gather3A_115 = tpu.dynamic_gather %add3A_109[%gather3A] in [0] : vector<16xf32>, vector<16xi32> -> vector<16xf32>
        %mul3A_116 = arith.constant 16 : i32
        %mul3A_117 = arith.muli %scan3A_97, %mul3A_116 : i32
        %get3A_118 = arith.constant 1 : i32
        %get3A_119 = arith.index_cast %get3A_118 : i32 to index
        %get3A_120 = arith.index_cast %mul3A_117 : i32 to index
        %get3A_121 = tpu.vector_load %arg4[%get3A_119, %get3A_120] {strides = array<i32>} : memref<2x8192xf32, #tpu.memory_space<vmem>>, vector<16xf32>,
        %broadcast_in_dim3A_122 = arith.constant true
        %broadcast_in_dim3A_123 = vector.broadcast %broadcast_in_dim3A_122 : i1 to vector<16xi1>
        %masked_cumsum3A_124 = tpu.scan <sum>, %get3A_121 masked %broadcast_in_dim3A_123 : vector<16xf32>, vector<16xi1> -> vector<16xf32>
        %add3A_125 = arith.addf %masked_cumsum3A_124, %scan3A_99 : vector<16xf32>
        %mul3A_126 = arith.constant 16 : i32
        %mul3A_127 = arith.muli %scan3A_97, %mul3A_126 : i32
        %swap3A_128 = arith.constant 1 : i32
        %swap3A_129 = arith.index_cast %swap3A_128 : i32 to index
        %swap3A_130 = arith.index_cast %mul3A_127 : i32 to index
        %swap3A_131 = tpu.vector_load %arg6[%swap3A_129, %swap3A_130] {strides = array<i32>} : memref<2x8192xf32, #tpu.memory_space<vmem>>, vector<16xf32>,
        tpu.vector_store %arg6[%swap3A_129, %swap3A_130], %add3A_125 {strides = array<i32>} : memref<2x8192xf32, #tpu.memory_space<vmem>>, vector<16xf32>,
        %reshape3A_132 = vector.shape_cast %broadcast_in_dim3A_101 : vector<16xi32> to vector<16x1xi32>
        %gather3A_133 = vector.shape_cast %reshape3A_132 : vector<16x1xi32> to vector<16xi32>
        %gather3A_134 = tpu.dynamic_gather %add3A_125[%gather3A_133] in [0] : vector<16xf32>, vector<16xi32> -> vector<16xf32>
        scf.yield %gather3A_115, %gather3A_134 : vector<16xf32>, vector<16xf32>
      }
      %scan3A_55 = arith.constant 512 : i32
      %mul3A_56 = arith.constant 2 : i32
      %mul3A_57 = arith.muli %mul3A_28, %mul3A_56 : i32
      %add3A_58 = arith.addi %mul3A_2, %mul3A_57 : i32
      %dma_start3A_59 = arith.constant 0 : i32
      %dma_start3A_60 = tpu.memref_slice %arg3[%add3A_58, %dma_start3A_59] : memref<8192x8192xf32, #tpu.memory_space<hbm>> -> memref<2x8192xf32, #tpu.memory_space<hbm>>
      %dma_start3A_61 = arith.constant 0 : i32
      %dma_start3A_62 = tpu.memref_slice %arg3[%add3A_58, %dma_start3A_61] : memref<8192x8192xf32, #tpu.memory_space<hbm>> -> memref<2x8192xf32, #tpu.memory_space<hbm>>
      tpu.enqueue_dma source(%arg6 : memref<2x8192xf32, #tpu.memory_space<vmem>>) target(%dma_start3A_62 : memref<2x8192xf32, #tpu.memory_space<hbm>>) target_semaphore(%arg10 : memref<!tpu.dma_semaphore, #tpu.memory_space<semaphore_mem>>)
      %lt3A = arith.constant 63 : i32
      %lt3A_63 = arith.cmpi slt, %scan3A_25, %lt3A : i32
      %convert_element_type3A_64 = arith.extui %lt3A_63 : i1 to i32
      %cond3A_65 = arith.constant 0 : i32
      %cond3A_66 = arith.cmpi ne, %convert_element_type3A_64, %cond3A_65 : i32
      scf.if %cond3A_66 {
        %add3A_97 = arith.constant 2 : i32
        %add3A_98 = arith.addi %mul3A_28, %add3A_97 : i32
        %mul3A_99 = arith.constant 2 : i32
        %mul3A_100 = arith.muli %add3A_98, %mul3A_99 : i32
        %add3A_101 = arith.addi %mul3A_2, %mul3A_100 : i32
        %dma_start3A_102 = arith.constant 0 : i32
        %dma_start3A_103 = tpu.memref_slice %arg2[%add3A_101, %dma_start3A_102] : memref<8192x8192xf32, #tpu.memory_space<hbm>> -> memref<2x8192xf32, #tpu.memory_space<hbm>>
        %dma_start3A_104 = arith.constant 0 : i32
        %dma_start3A_105 = tpu.memref_slice %arg2[%add3A_101, %dma_start3A_104] : memref<8192x8192xf32, #tpu.memory_space<hbm>> -> memref<2x8192xf32, #tpu.memory_space<hbm>>
        tpu.enqueue_dma source(%dma_start3A_105 : memref<2x8192xf32, #tpu.memory_space<hbm>>) target(%arg4 : memref<2x8192xf32, #tpu.memory_space<vmem>>) target_semaphore(%arg8 : memref<!tpu.dma_semaphore, #tpu.memory_space<semaphore_mem>>)
      } else {
      }
      %mul3A_67 = arith.constant 2 : i32
      %mul3A_68 = arith.muli %add3A_30, %mul3A_67 : i32
      %add3A_69 = arith.addi %mul3A_2, %mul3A_68 : i32
      %dma_wait3A_70 = arith.constant 0 : i32
      %dma_wait3A_71 = tpu.memref_slice %arg2[%add3A_69, %dma_wait3A_70] : memref<8192x8192xf32, #tpu.memory_space<hbm>> -> memref<2x8192xf32, #tpu.memory_space<hbm>>
      %dma_wait3A_72 = arith.constant 0 : i32
      %dma_wait3A_73 = tpu.memref_slice %arg2[%add3A_69, %dma_wait3A_72] : memref<8192x8192xf32, #tpu.memory_space<hbm>> -> memref<2x8192xf32, #tpu.memory_space<hbm>>
      tpu.wait_dma2 semaphore(%arg9 : memref<!tpu.dma_semaphore, #tpu.memory_space<semaphore_mem>>) src(%dma_wait3A_73 : memref<2x8192xf32, #tpu.memory_space<hbm>>) dst(%arg5 : memref<2x8192xf32, #tpu.memory_space<vmem>>)
      %gt3A_74 = arith.constant 0 : i32
      %gt3A_75 = arith.cmpi sgt, %scan3A_25, %gt3A_74 : i32
      %convert_element_type3A_76 = arith.extui %gt3A_75 : i1 to i32
      %cond3A_77 = arith.constant 0 : i32
      %cond3A_78 = arith.cmpi ne, %convert_element_type3A_76, %cond3A_77 : i32
      scf.if %cond3A_78 {
        %sub3A = arith.constant 2 : i32
        %sub3A_97 = arith.subi %add3A_30, %sub3A : i32
        %mul3A_98 = arith.constant 2 : i32
        %mul3A_99 = arith.muli %sub3A_97, %mul3A_98 : i32
        %add3A_100 = arith.addi %mul3A_2, %mul3A_99 : i32
        %dma_wait3A_101 = arith.constant 0 : i32
        %dma_wait3A_102 = tpu.memref_slice %arg3[%add3A_100, %dma_wait3A_101] : memref<8192x8192xf32, #tpu.memory_space<hbm>> -> memref<2x8192xf32, #tpu.memory_space<hbm>>
        %dma_wait3A_103 = arith.constant 0 : i32
        %dma_wait3A_104 = tpu.memref_slice %arg3[%add3A_100, %dma_wait3A_103] : memref<8192x8192xf32, #tpu.memory_space<hbm>> -> memref<2x8192xf32, #tpu.memory_space<hbm>>
        tpu.wait_dma2 semaphore(%arg11 : memref<!tpu.dma_semaphore, #tpu.memory_space<semaphore_mem>>) src(%arg7 : memref<2x8192xf32, #tpu.memory_space<vmem>>) dst(%dma_wait3A_104 : memref<2x8192xf32, #tpu.memory_space<hbm>>)
      } else {
      }
      %broadcast_in_dim3A_79 = arith.constant 0.000000e+00 : f32
      %broadcast_in_dim3A_80 = vector.broadcast %broadcast_in_dim3A_79 : f32 to vector<16xf32>
      %broadcast_in_dim3A_81 = arith.constant 0.000000e+00 : f32
      %broadcast_in_dim3A_82 = vector.broadcast %broadcast_in_dim3A_81 : f32 to vector<16xf32>
      %scan3A_83 = arith.constant 0 : i32
      %scan3A_84 = arith.constant 512 : i32
      %scan3A_85 = arith.addi %scan3A_83, %scan3A_84 : i32
      %scan3A_86 = arith.constant 1 : i32
      %scan3A_87:2 = scf.for %scan3A_97 = %scan3A_83 to %scan3A_85 step %scan3A_86 iter_args(%scan3A_98 = %broadcast_in_dim3A_80, %scan3A_99 = %broadcast_in_dim3A_82) -> (vector<16xf32>, vector<16xf32>)  : i32 {
        %broadcast_in_dim3A_100 = arith.constant 15 : i32
        %broadcast_in_dim3A_101 = vector.broadcast %broadcast_in_dim3A_100 : i32 to vector<16xi32>
        %mul3A_102 = arith.constant 16 : i32
        %mul3A_103 = arith.muli %scan3A_97, %mul3A_102 : i32
        %get3A = arith.constant 0 : i32
        %get3A_104 = arith.index_cast %get3A : i32 to index
        %get3A_105 = arith.index_cast %mul3A_103 : i32 to index
        %get3A_106 = tpu.vector_load %arg5[%get3A_104, %get3A_105] {strides = array<i32>} : memref<2x8192xf32, #tpu.memory_space<vmem>>, vector<16xf32>,
        %broadcast_in_dim3A_107 = arith.constant true
        %broadcast_in_dim3A_108 = vector.broadcast %broadcast_in_dim3A_107 : i1 to vector<16xi1>
        %masked_cumsum3A = tpu.scan <sum>, %get3A_106 masked %broadcast_in_dim3A_108 : vector<16xf32>, vector<16xi1> -> vector<16xf32>
        %add3A_109 = arith.addf %masked_cumsum3A, %scan3A_98 : vector<16xf32>
        %mul3A_110 = arith.constant 16 : i32
        %mul3A_111 = arith.muli %scan3A_97, %mul3A_110 : i32
        %swap3A = arith.constant 0 : i32
        %swap3A_112 = arith.index_cast %swap3A : i32 to index
        %swap3A_113 = arith.index_cast %mul3A_111 : i32 to index
        %swap3A_114 = tpu.vector_load %arg7[%swap3A_112, %swap3A_113] {strides = array<i32>} : memref<2x8192xf32, #tpu.memory_space<vmem>>, vector<16xf32>,
        tpu.vector_store %arg7[%swap3A_112, %swap3A_113], %add3A_109 {strides = array<i32>} : memref<2x8192xf32, #tpu.memory_space<vmem>>, vector<16xf32>,
        %reshape3A = vector.shape_cast %broadcast_in_dim3A_101 : vector<16xi32> to vector<16x1xi32>
        %gather3A = vector.shape_cast %reshape3A : vector<16x1xi32> to vector<16xi32>
        %gather3A_115 = tpu.dynamic_gather %add3A_109[%gather3A] in [0] : vector<16xf32>, vector<16xi32> -> vector<16xf32>
        %mul3A_116 = arith.constant 16 : i32
        %mul3A_117 = arith.muli %scan3A_97, %mul3A_116 : i32
        %get3A_118 = arith.constant 1 : i32
        %get3A_119 = arith.index_cast %get3A_118 : i32 to index
        %get3A_120 = arith.index_cast %mul3A_117 : i32 to index
        %get3A_121 = tpu.vector_load %arg5[%get3A_119, %get3A_120] {strides = array<i32>} : memref<2x8192xf32, #tpu.memory_space<vmem>>, vector<16xf32>,
        %broadcast_in_dim3A_122 = arith.constant true
        %broadcast_in_dim3A_123 = vector.broadcast %broadcast_in_dim3A_122 : i1 to vector<16xi1>
        %masked_cumsum3A_124 = tpu.scan <sum>, %get3A_121 masked %broadcast_in_dim3A_123 : vector<16xf32>, vector<16xi1> -> vector<16xf32>
        %add3A_125 = arith.addf %masked_cumsum3A_124, %scan3A_99 : vector<16xf32>
        %mul3A_126 = arith.constant 16 : i32
        %mul3A_127 = arith.muli %scan3A_97, %mul3A_126 : i32
        %swap3A_128 = arith.constant 1 : i32
        %swap3A_129 = arith.index_cast %swap3A_128 : i32 to index
        %swap3A_130 = arith.index_cast %mul3A_127 : i32 to index
        %swap3A_131 = tpu.vector_load %arg7[%swap3A_129, %swap3A_130] {strides = array<i32>} : memref<2x8192xf32, #tpu.memory_space<vmem>>, vector<16xf32>,
        tpu.vector_store %arg7[%swap3A_129, %swap3A_130], %add3A_125 {strides = array<i32>} : memref<2x8192xf32, #tpu.memory_space<vmem>>, vector<16xf32>,
        %reshape3A_132 = vector.shape_cast %broadcast_in_dim3A_101 : vector<16xi32> to vector<16x1xi32>
        %gather3A_133 = vector.shape_cast %reshape3A_132 : vector<16x1xi32> to vector<16xi32>
        %gather3A_134 = tpu.dynamic_gather %add3A_125[%gather3A_133] in [0] : vector<16xf32>, vector<16xi32> -> vector<16xf32>
        scf.yield %gather3A_115, %gather3A_134 : vector<16xf32>, vector<16xf32>
      }
      %scan3A_88 = arith.constant 512 : i32
      %mul3A_89 = arith.constant 2 : i32
      %mul3A_90 = arith.muli %add3A_30, %mul3A_89 : i32
      %add3A_91 = arith.addi %mul3A_2, %mul3A_90 : i32
      %dma_start3A_92 = arith.constant 0 : i32
      %dma_start3A_93 = tpu.memref_slice %arg3[%add3A_91, %dma_start3A_92] : memref<8192x8192xf32, #tpu.memory_space<hbm>> -> memref<2x8192xf32, #tpu.memory_space<hbm>>
      %dma_start3A_94 = arith.constant 0 : i32
      %dma_start3A_95 = tpu.memref_slice %arg3[%add3A_91, %dma_start3A_94] : memref<8192x8192xf32, #tpu.memory_space<hbm>> -> memref<2x8192xf32, #tpu.memory_space<hbm>>
      tpu.enqueue_dma source(%arg7 : memref<2x8192xf32, #tpu.memory_space<vmem>>) target(%dma_start3A_95 : memref<2x8192xf32, #tpu.memory_space<hbm>>) target_semaphore(%arg11 : memref<!tpu.dma_semaphore, #tpu.memory_space<semaphore_mem>>)
      %scan3A_96 = arith.constant 0 : i32
      scf.yield %scan3A_96 : i32
    }
    %scan3A_13 = arith.constant 64 : i32
    %add3A_14 = arith.constant 252 : i32
    %add3A_15 = arith.addi %mul3A_2, %add3A_14 : i32
    %dma_wait3A = arith.constant 0 : i32
    %dma_wait3A_16 = tpu.memref_slice %arg3[%add3A_15, %dma_wait3A] : memref<8192x8192xf32, #tpu.memory_space<hbm>> -> memref<2x8192xf32, #tpu.memory_space<hbm>>
    %dma_wait3A_17 = arith.constant 0 : i32
    %dma_wait3A_18 = tpu.memref_slice %arg3[%add3A_15, %dma_wait3A_17] : memref<8192x8192xf32, #tpu.memory_space<hbm>> -> memref<2x8192xf32, #tpu.memory_space<hbm>>
    tpu.wait_dma2 semaphore(%arg10 : memref<!tpu.dma_semaphore, #tpu.memory_space<semaphore_mem>>) src(%arg6 : memref<2x8192xf32, #tpu.memory_space<vmem>>) dst(%dma_wait3A_18 : memref<2x8192xf32, #tpu.memory_space<hbm>>)
    %add3A_19 = arith.constant 254 : i32
    %add3A_20 = arith.addi %mul3A_2, %add3A_19 : i32
    %dma_wait3A_21 = arith.constant 0 : i32
    %dma_wait3A_22 = tpu.memref_slice %arg3[%add3A_20, %dma_wait3A_21] : memref<8192x8192xf32, #tpu.memory_space<hbm>> -> memref<2x8192xf32, #tpu.memory_space<hbm>>
    %dma_wait3A_23 = arith.constant 0 : i32
    %dma_wait3A_24 = tpu.memref_slice %arg3[%add3A_20, %dma_wait3A_23] : memref<8192x8192xf32, #tpu.memory_space<hbm>> -> memref<2x8192xf32, #tpu.memory_space<hbm>>
    tpu.wait_dma2 semaphore(%arg11 : memref<!tpu.dma_semaphore, #tpu.memory_space<semaphore_mem>>) src(%arg7 : memref<2x8192xf32, #tpu.memory_space<vmem>>) dst(%dma_wait3A_24 : memref<2x8192xf32, #tpu.memory_space<hbm>>)
    return
  }
}

module attributes {stable_mosaic.version = 14 : i64} {
  func.func @_tc_body(%arg0: i32, %arg1: memref<128x256xf32, #tpu.memory_space<vmem>>, %arg2: memref<256x8192xf32, #tpu.memory_space<vmem>>, %arg3: memref<256x8192xf32, #tpu.memory_space<vmem>>) attributes {dimension_semantics = [#tpu.dimension_semantics<parallel>], iteration_bounds = array<i64: 32>, scalar_prefetch = 0 : i64, scratch_operands = 0 : i64, tpu.core_type = #tpu.core_type<tc>, window_params = [{pipeline_mode = #tpu.pipeline_mode<synchronous>, transform_indices = @transform_0, window_bounds = array<i64: 128, 256>}, {transform_indices = @transform_1, window_bounds = array<i64: 256, 8192>}, {transform_indices = @transform_2, window_bounds = array<i64: 256, 8192>}]} {
    %get3A = arith.constant 0 : index
    %get3A_0 = arith.constant 0 : index
    %get3A_1 = vector.load %arg1[%get3A, %get3A_0] : memref<128x256xf32, #tpu.memory_space<vmem>>, vector<128x256xf32>
    %broadcast_in_dim3A = arith.constant 0.000000e+00 : f32
    %broadcast_in_dim3A_2 = vector.broadcast %broadcast_in_dim3A : f32 to vector<256x128xf32>
    %get3A_3 = arith.constant 0 : index
    %get3A_4 = arith.constant 0 : index
    %get3A_5 = vector.load %arg2[%get3A_3, %get3A_4] : memref<256x8192xf32, #tpu.memory_space<vmem>>, vector<256x128xf32>
    %dot_general3A = arith.constant dense<0.000000e+00> : vector<256x256xf32>
    %dot_general3A_6 = tpu.matmul %get3A_5, %get3A_1, %dot_general3A {dimension_numbers = #tpu.dot_dimension_numbers<[1], [0], [0], [1], [0, 0, 1, 1], [], []>, transpose_lhs_hint = false} : vector<256x128xf32>, vector<128x256xf32>, vector<256x256xf32> -> vector<256x256xf32>
    %slice3A = vector.extract_strided_slice %dot_general3A_6 {offsets = [0, 0], sizes = [256, 128], strides = [1, 1]} : vector<256x256xf32> to vector<256x128xf32>
    %add3A = arith.addf %slice3A, %broadcast_in_dim3A_2 : vector<256x128xf32>
    %swap3A = arith.constant 0 : index
    %swap3A_7 = arith.constant 0 : index
    %swap3A_8 = vector.load %arg3[%swap3A, %swap3A_7] : memref<256x8192xf32, #tpu.memory_space<vmem>>, vector<256x128xf32>
    tpu.vector_store %arg3[%swap3A, %swap3A_7], %add3A {strides = array<i32>} : memref<256x8192xf32, #tpu.memory_space<vmem>>, vector<256x128xf32>,
    %slice3A_9 = vector.extract_strided_slice %dot_general3A_6 {offsets = [0, 128], sizes = [256, 128], strides = [1, 1]} : vector<256x256xf32> to vector<256x128xf32>
    %add3A_10 = arith.addf %broadcast_in_dim3A_2, %slice3A_9 : vector<256x128xf32>
    %get3A_11 = arith.constant 0 : index
    %get3A_12 = arith.constant 128 : index
    %get3A_13 = vector.load %arg2[%get3A_11, %get3A_12] : memref<256x8192xf32, #tpu.memory_space<vmem>>, vector<256x128xf32>
    %dot_general3A_14 = arith.constant dense<0.000000e+00> : vector<256x256xf32>
    %dot_general3A_15 = tpu.matmul %get3A_13, %get3A_1, %dot_general3A_14 {dimension_numbers = #tpu.dot_dimension_numbers<[1], [0], [0], [1], [0, 0, 1, 1], [], []>, transpose_lhs_hint = false} : vector<256x128xf32>, vector<128x256xf32>, vector<256x256xf32> -> vector<256x256xf32>
    %slice3A_16 = vector.extract_strided_slice %dot_general3A_15 {offsets = [0, 0], sizes = [256, 128], strides = [1, 1]} : vector<256x256xf32> to vector<256x128xf32>
    %add3A_17 = arith.addf %slice3A_16, %add3A_10 : vector<256x128xf32>
    %swap3A_18 = arith.constant 0 : index
    %swap3A_19 = arith.constant 128 : index
    %swap3A_20 = vector.load %arg3[%swap3A_18, %swap3A_19] : memref<256x8192xf32, #tpu.memory_space<vmem>>, vector<256x128xf32>
    tpu.vector_store %arg3[%swap3A_18, %swap3A_19], %add3A_17 {strides = array<i32>} : memref<256x8192xf32, #tpu.memory_space<vmem>>, vector<256x128xf32>,
    %slice3A_21 = vector.extract_strided_slice %dot_general3A_15 {offsets = [0, 128], sizes = [256, 128], strides = [1, 1]} : vector<256x256xf32> to vector<256x128xf32>
    %add3A_22 = arith.addf %add3A_10, %slice3A_21 : vector<256x128xf32>
    %get3A_23 = arith.constant 0 : index
    %get3A_24 = arith.constant 256 : index
    %get3A_25 = vector.load %arg2[%get3A_23, %get3A_24] : memref<256x8192xf32, #tpu.memory_space<vmem>>, vector<256x128xf32>
    %dot_general3A_26 = arith.constant dense<0.000000e+00> : vector<256x256xf32>
    %dot_general3A_27 = tpu.matmul %get3A_25, %get3A_1, %dot_general3A_26 {dimension_numbers = #tpu.dot_dimension_numbers<[1], [0], [0], [1], [0, 0, 1, 1], [], []>, transpose_lhs_hint = false} : vector<256x128xf32>, vector<128x256xf32>, vector<256x256xf32> -> vector<256x256xf32>
    %slice3A_28 = vector.extract_strided_slice %dot_general3A_27 {offsets = [0, 0], sizes = [256, 128], strides = [1, 1]} : vector<256x256xf32> to vector<256x128xf32>
    %add3A_29 = arith.addf %slice3A_28, %add3A_22 : vector<256x128xf32>
    %swap3A_30 = arith.constant 0 : index
    %swap3A_31 = arith.constant 256 : index
    %swap3A_32 = vector.load %arg3[%swap3A_30, %swap3A_31] : memref<256x8192xf32, #tpu.memory_space<vmem>>, vector<256x128xf32>
    tpu.vector_store %arg3[%swap3A_30, %swap3A_31], %add3A_29 {strides = array<i32>} : memref<256x8192xf32, #tpu.memory_space<vmem>>, vector<256x128xf32>,
    %slice3A_33 = vector.extract_strided_slice %dot_general3A_27 {offsets = [0, 128], sizes = [256, 128], strides = [1, 1]} : vector<256x256xf32> to vector<256x128xf32>
    %add3A_34 = arith.addf %add3A_22, %slice3A_33 : vector<256x128xf32>
    %get3A_35 = arith.constant 0 : index
    %get3A_36 = arith.constant 384 : index
    %get3A_37 = vector.load %arg2[%get3A_35, %get3A_36] : memref<256x8192xf32, #tpu.memory_space<vmem>>, vector<256x128xf32>
    %dot_general3A_38 = arith.constant dense<0.000000e+00> : vector<256x256xf32>
    %dot_general3A_39 = tpu.matmul %get3A_37, %get3A_1, %dot_general3A_38 {dimension_numbers = #tpu.dot_dimension_numbers<[1], [0], [0], [1], [0, 0, 1, 1], [], []>, transpose_lhs_hint = false} : vector<256x128xf32>, vector<128x256xf32>, vector<256x256xf32> -> vector<256x256xf32>
    %slice3A_40 = vector.extract_strided_slice %dot_general3A_39 {offsets = [0, 0], sizes = [256, 128], strides = [1, 1]} : vector<256x256xf32> to vector<256x128xf32>
    %add3A_41 = arith.addf %slice3A_40, %add3A_34 : vector<256x128xf32>
    %swap3A_42 = arith.constant 0 : index
    %swap3A_43 = arith.constant 384 : index
    %swap3A_44 = vector.load %arg3[%swap3A_42, %swap3A_43] : memref<256x8192xf32, #tpu.memory_space<vmem>>, vector<256x128xf32>
    tpu.vector_store %arg3[%swap3A_42, %swap3A_43], %add3A_41 {strides = array<i32>} : memref<256x8192xf32, #tpu.memory_space<vmem>>, vector<256x128xf32>,
    %slice3A_45 = vector.extract_strided_slice %dot_general3A_39 {offsets = [0, 128], sizes = [256, 128], strides = [1, 1]} : vector<256x256xf32> to vector<256x128xf32>
    %add3A_46 = arith.addf %add3A_34, %slice3A_45 : vector<256x128xf32>
    %get3A_47 = arith.constant 0 : index
    %get3A_48 = arith.constant 512 : index
    %get3A_49 = vector.load %arg2[%get3A_47, %get3A_48] : memref<256x8192xf32, #tpu.memory_space<vmem>>, vector<256x128xf32>
    %dot_general3A_50 = arith.constant dense<0.000000e+00> : vector<256x256xf32>
    %dot_general3A_51 = tpu.matmul %get3A_49, %get3A_1, %dot_general3A_50 {dimension_numbers = #tpu.dot_dimension_numbers<[1], [0], [0], [1], [0, 0, 1, 1], [], []>, transpose_lhs_hint = false} : vector<256x128xf32>, vector<128x256xf32>, vector<256x256xf32> -> vector<256x256xf32>
    %slice3A_52 = vector.extract_strided_slice %dot_general3A_51 {offsets = [0, 0], sizes = [256, 128], strides = [1, 1]} : vector<256x256xf32> to vector<256x128xf32>
    %add3A_53 = arith.addf %slice3A_52, %add3A_46 : vector<256x128xf32>
    %swap3A_54 = arith.constant 0 : index
    %swap3A_55 = arith.constant 512 : index
    %swap3A_56 = vector.load %arg3[%swap3A_54, %swap3A_55] : memref<256x8192xf32, #tpu.memory_space<vmem>>, vector<256x128xf32>
    tpu.vector_store %arg3[%swap3A_54, %swap3A_55], %add3A_53 {strides = array<i32>} : memref<256x8192xf32, #tpu.memory_space<vmem>>, vector<256x128xf32>,
    %slice3A_57 = vector.extract_strided_slice %dot_general3A_51 {offsets = [0, 128], sizes = [256, 128], strides = [1, 1]} : vector<256x256xf32> to vector<256x128xf32>
    %add3A_58 = arith.addf %add3A_46, %slice3A_57 : vector<256x128xf32>
    %get3A_59 = arith.constant 0 : index
    %get3A_60 = arith.constant 640 : index
    %get3A_61 = vector.load %arg2[%get3A_59, %get3A_60] : memref<256x8192xf32, #tpu.memory_space<vmem>>, vector<256x128xf32>
    %dot_general3A_62 = arith.constant dense<0.000000e+00> : vector<256x256xf32>
    %dot_general3A_63 = tpu.matmul %get3A_61, %get3A_1, %dot_general3A_62 {dimension_numbers = #tpu.dot_dimension_numbers<[1], [0], [0], [1], [0, 0, 1, 1], [], []>, transpose_lhs_hint = false} : vector<256x128xf32>, vector<128x256xf32>, vector<256x256xf32> -> vector<256x256xf32>
    %slice3A_64 = vector.extract_strided_slice %dot_general3A_63 {offsets = [0, 0], sizes = [256, 128], strides = [1, 1]} : vector<256x256xf32> to vector<256x128xf32>
    %add3A_65 = arith.addf %slice3A_64, %add3A_58 : vector<256x128xf32>
    %swap3A_66 = arith.constant 0 : index
    %swap3A_67 = arith.constant 640 : index
    %swap3A_68 = vector.load %arg3[%swap3A_66, %swap3A_67] : memref<256x8192xf32, #tpu.memory_space<vmem>>, vector<256x128xf32>
    tpu.vector_store %arg3[%swap3A_66, %swap3A_67], %add3A_65 {strides = array<i32>} : memref<256x8192xf32, #tpu.memory_space<vmem>>, vector<256x128xf32>,
    %slice3A_69 = vector.extract_strided_slice %dot_general3A_63 {offsets = [0, 128], sizes = [256, 128], strides = [1, 1]} : vector<256x256xf32> to vector<256x128xf32>
    %add3A_70 = arith.addf %add3A_58, %slice3A_69 : vector<256x128xf32>
    %get3A_71 = arith.constant 0 : index
    %get3A_72 = arith.constant 768 : index
    %get3A_73 = vector.load %arg2[%get3A_71, %get3A_72] : memref<256x8192xf32, #tpu.memory_space<vmem>>, vector<256x128xf32>
    %dot_general3A_74 = arith.constant dense<0.000000e+00> : vector<256x256xf32>
    %dot_general3A_75 = tpu.matmul %get3A_73, %get3A_1, %dot_general3A_74 {dimension_numbers = #tpu.dot_dimension_numbers<[1], [0], [0], [1], [0, 0, 1, 1], [], []>, transpose_lhs_hint = false} : vector<256x128xf32>, vector<128x256xf32>, vector<256x256xf32> -> vector<256x256xf32>
    %slice3A_76 = vector.extract_strided_slice %dot_general3A_75 {offsets = [0, 0], sizes = [256, 128], strides = [1, 1]} : vector<256x256xf32> to vector<256x128xf32>
    %add3A_77 = arith.addf %slice3A_76, %add3A_70 : vector<256x128xf32>
    %swap3A_78 = arith.constant 0 : index
    %swap3A_79 = arith.constant 768 : index
    %swap3A_80 = vector.load %arg3[%swap3A_78, %swap3A_79] : memref<256x8192xf32, #tpu.memory_space<vmem>>, vector<256x128xf32>
    tpu.vector_store %arg3[%swap3A_78, %swap3A_79], %add3A_77 {strides = array<i32>} : memref<256x8192xf32, #tpu.memory_space<vmem>>, vector<256x128xf32>,
    %slice3A_81 = vector.extract_strided_slice %dot_general3A_75 {offsets = [0, 128], sizes = [256, 128], strides = [1, 1]} : vector<256x256xf32> to vector<256x128xf32>
    %add3A_82 = arith.addf %add3A_70, %slice3A_81 : vector<256x128xf32>
    %get3A_83 = arith.constant 0 : index
    %get3A_84 = arith.constant 896 : index
    %get3A_85 = vector.load %arg2[%get3A_83, %get3A_84] : memref<256x8192xf32, #tpu.memory_space<vmem>>, vector<256x128xf32>
    %dot_general3A_86 = arith.constant dense<0.000000e+00> : vector<256x256xf32>
    %dot_general3A_87 = tpu.matmul %get3A_85, %get3A_1, %dot_general3A_86 {dimension_numbers = #tpu.dot_dimension_numbers<[1], [0], [0], [1], [0, 0, 1, 1], [], []>, transpose_lhs_hint = false} : vector<256x128xf32>, vector<128x256xf32>, vector<256x256xf32> -> vector<256x256xf32>
    %slice3A_88 = vector.extract_strided_slice %dot_general3A_87 {offsets = [0, 0], sizes = [256, 128], strides = [1, 1]} : vector<256x256xf32> to vector<256x128xf32>
    %add3A_89 = arith.addf %slice3A_88, %add3A_82 : vector<256x128xf32>
    %swap3A_90 = arith.constant 0 : index
    %swap3A_91 = arith.constant 896 : index
    %swap3A_92 = vector.load %arg3[%swap3A_90, %swap3A_91] : memref<256x8192xf32, #tpu.memory_space<vmem>>, vector<256x128xf32>
    tpu.vector_store %arg3[%swap3A_90, %swap3A_91], %add3A_89 {strides = array<i32>} : memref<256x8192xf32, #tpu.memory_space<vmem>>, vector<256x128xf32>,
    %slice3A_93 = vector.extract_strided_slice %dot_general3A_87 {offsets = [0, 128], sizes = [256, 128], strides = [1, 1]} : vector<256x256xf32> to vector<256x128xf32>
    %add3A_94 = arith.addf %add3A_82, %slice3A_93 : vector<256x128xf32>
    %get3A_95 = arith.constant 0 : index
    %get3A_96 = arith.constant 1024 : index
    %get3A_97 = vector.load %arg2[%get3A_95, %get3A_96] : memref<256x8192xf32, #tpu.memory_space<vmem>>, vector<256x128xf32>
    %dot_general3A_98 = arith.constant dense<0.000000e+00> : vector<256x256xf32>
    %dot_general3A_99 = tpu.matmul %get3A_97, %get3A_1, %dot_general3A_98 {dimension_numbers = #tpu.dot_dimension_numbers<[1], [0], [0], [1], [0, 0, 1, 1], [], []>, transpose_lhs_hint = false} : vector<256x128xf32>, vector<128x256xf32>, vector<256x256xf32> -> vector<256x256xf32>
    %slice3A_100 = vector.extract_strided_slice %dot_general3A_99 {offsets = [0, 0], sizes = [256, 128], strides = [1, 1]} : vector<256x256xf32> to vector<256x128xf32>
    %add3A_101 = arith.addf %slice3A_100, %add3A_94 : vector<256x128xf32>
    %swap3A_102 = arith.constant 0 : index
    %swap3A_103 = arith.constant 1024 : index
    %swap3A_104 = vector.load %arg3[%swap3A_102, %swap3A_103] : memref<256x8192xf32, #tpu.memory_space<vmem>>, vector<256x128xf32>
    tpu.vector_store %arg3[%swap3A_102, %swap3A_103], %add3A_101 {strides = array<i32>} : memref<256x8192xf32, #tpu.memory_space<vmem>>, vector<256x128xf32>,
    %slice3A_105 = vector.extract_strided_slice %dot_general3A_99 {offsets = [0, 128], sizes = [256, 128], strides = [1, 1]} : vector<256x256xf32> to vector<256x128xf32>
    %add3A_106 = arith.addf %add3A_94, %slice3A_105 : vector<256x128xf32>
    %get3A_107 = arith.constant 0 : index
    %get3A_108 = arith.constant 1152 : index
    %get3A_109 = vector.load %arg2[%get3A_107, %get3A_108] : memref<256x8192xf32, #tpu.memory_space<vmem>>, vector<256x128xf32>
    %dot_general3A_110 = arith.constant dense<0.000000e+00> : vector<256x256xf32>
    %dot_general3A_111 = tpu.matmul %get3A_109, %get3A_1, %dot_general3A_110 {dimension_numbers = #tpu.dot_dimension_numbers<[1], [0], [0], [1], [0, 0, 1, 1], [], []>, transpose_lhs_hint = false} : vector<256x128xf32>, vector<128x256xf32>, vector<256x256xf32> -> vector<256x256xf32>
    %slice3A_112 = vector.extract_strided_slice %dot_general3A_111 {offsets = [0, 0], sizes = [256, 128], strides = [1, 1]} : vector<256x256xf32> to vector<256x128xf32>
    %add3A_113 = arith.addf %slice3A_112, %add3A_106 : vector<256x128xf32>
    %swap3A_114 = arith.constant 0 : index
    %swap3A_115 = arith.constant 1152 : index
    %swap3A_116 = vector.load %arg3[%swap3A_114, %swap3A_115] : memref<256x8192xf32, #tpu.memory_space<vmem>>, vector<256x128xf32>
    tpu.vector_store %arg3[%swap3A_114, %swap3A_115], %add3A_113 {strides = array<i32>} : memref<256x8192xf32, #tpu.memory_space<vmem>>, vector<256x128xf32>,
    %slice3A_117 = vector.extract_strided_slice %dot_general3A_111 {offsets = [0, 128], sizes = [256, 128], strides = [1, 1]} : vector<256x256xf32> to vector<256x128xf32>
    %add3A_118 = arith.addf %add3A_106, %slice3A_117 : vector<256x128xf32>
    %get3A_119 = arith.constant 0 : index
    %get3A_120 = arith.constant 1280 : index
    %get3A_121 = vector.load %arg2[%get3A_119, %get3A_120] : memref<256x8192xf32, #tpu.memory_space<vmem>>, vector<256x128xf32>
    %dot_general3A_122 = arith.constant dense<0.000000e+00> : vector<256x256xf32>
    %dot_general3A_123 = tpu.matmul %get3A_121, %get3A_1, %dot_general3A_122 {dimension_numbers = #tpu.dot_dimension_numbers<[1], [0], [0], [1], [0, 0, 1, 1], [], []>, transpose_lhs_hint = false} : vector<256x128xf32>, vector<128x256xf32>, vector<256x256xf32> -> vector<256x256xf32>
    %slice3A_124 = vector.extract_strided_slice %dot_general3A_123 {offsets = [0, 0], sizes = [256, 128], strides = [1, 1]} : vector<256x256xf32> to vector<256x128xf32>
    %add3A_125 = arith.addf %slice3A_124, %add3A_118 : vector<256x128xf32>
    %swap3A_126 = arith.constant 0 : index
    %swap3A_127 = arith.constant 1280 : index
    %swap3A_128 = vector.load %arg3[%swap3A_126, %swap3A_127] : memref<256x8192xf32, #tpu.memory_space<vmem>>, vector<256x128xf32>
    tpu.vector_store %arg3[%swap3A_126, %swap3A_127], %add3A_125 {strides = array<i32>} : memref<256x8192xf32, #tpu.memory_space<vmem>>, vector<256x128xf32>,
    %slice3A_129 = vector.extract_strided_slice %dot_general3A_123 {offsets = [0, 128], sizes = [256, 128], strides = [1, 1]} : vector<256x256xf32> to vector<256x128xf32>
    %add3A_130 = arith.addf %add3A_118, %slice3A_129 : vector<256x128xf32>
    %get3A_131 = arith.constant 0 : index
    %get3A_132 = arith.constant 1408 : index
    %get3A_133 = vector.load %arg2[%get3A_131, %get3A_132] : memref<256x8192xf32, #tpu.memory_space<vmem>>, vector<256x128xf32>
    %dot_general3A_134 = arith.constant dense<0.000000e+00> : vector<256x256xf32>
    %dot_general3A_135 = tpu.matmul %get3A_133, %get3A_1, %dot_general3A_134 {dimension_numbers = #tpu.dot_dimension_numbers<[1], [0], [0], [1], [0, 0, 1, 1], [], []>, transpose_lhs_hint = false} : vector<256x128xf32>, vector<128x256xf32>, vector<256x256xf32> -> vector<256x256xf32>
    %slice3A_136 = vector.extract_strided_slice %dot_general3A_135 {offsets = [0, 0], sizes = [256, 128], strides = [1, 1]} : vector<256x256xf32> to vector<256x128xf32>
    %add3A_137 = arith.addf %slice3A_136, %add3A_130 : vector<256x128xf32>
    %swap3A_138 = arith.constant 0 : index
    %swap3A_139 = arith.constant 1408 : index
    %swap3A_140 = vector.load %arg3[%swap3A_138, %swap3A_139] : memref<256x8192xf32, #tpu.memory_space<vmem>>, vector<256x128xf32>
    tpu.vector_store %arg3[%swap3A_138, %swap3A_139], %add3A_137 {strides = array<i32>} : memref<256x8192xf32, #tpu.memory_space<vmem>>, vector<256x128xf32>,
    %slice3A_141 = vector.extract_strided_slice %dot_general3A_135 {offsets = [0, 128], sizes = [256, 128], strides = [1, 1]} : vector<256x256xf32> to vector<256x128xf32>
    %add3A_142 = arith.addf %add3A_130, %slice3A_141 : vector<256x128xf32>
    %get3A_143 = arith.constant 0 : index
    %get3A_144 = arith.constant 1536 : index
    %get3A_145 = vector.load %arg2[%get3A_143, %get3A_144] : memref<256x8192xf32, #tpu.memory_space<vmem>>, vector<256x128xf32>
    %dot_general3A_146 = arith.constant dense<0.000000e+00> : vector<256x256xf32>
    %dot_general3A_147 = tpu.matmul %get3A_145, %get3A_1, %dot_general3A_146 {dimension_numbers = #tpu.dot_dimension_numbers<[1], [0], [0], [1], [0, 0, 1, 1], [], []>, transpose_lhs_hint = false} : vector<256x128xf32>, vector<128x256xf32>, vector<256x256xf32> -> vector<256x256xf32>
    %slice3A_148 = vector.extract_strided_slice %dot_general3A_147 {offsets = [0, 0], sizes = [256, 128], strides = [1, 1]} : vector<256x256xf32> to vector<256x128xf32>
    %add3A_149 = arith.addf %slice3A_148, %add3A_142 : vector<256x128xf32>
    %swap3A_150 = arith.constant 0 : index
    %swap3A_151 = arith.constant 1536 : index
    %swap3A_152 = vector.load %arg3[%swap3A_150, %swap3A_151] : memref<256x8192xf32, #tpu.memory_space<vmem>>, vector<256x128xf32>
    tpu.vector_store %arg3[%swap3A_150, %swap3A_151], %add3A_149 {strides = array<i32>} : memref<256x8192xf32, #tpu.memory_space<vmem>>, vector<256x128xf32>,
    %slice3A_153 = vector.extract_strided_slice %dot_general3A_147 {offsets = [0, 128], sizes = [256, 128], strides = [1, 1]} : vector<256x256xf32> to vector<256x128xf32>
    %add3A_154 = arith.addf %add3A_142, %slice3A_153 : vector<256x128xf32>
    %get3A_155 = arith.constant 0 : index
    %get3A_156 = arith.constant 1664 : index
    %get3A_157 = vector.load %arg2[%get3A_155, %get3A_156] : memref<256x8192xf32, #tpu.memory_space<vmem>>, vector<256x128xf32>
    %dot_general3A_158 = arith.constant dense<0.000000e+00> : vector<256x256xf32>
    %dot_general3A_159 = tpu.matmul %get3A_157, %get3A_1, %dot_general3A_158 {dimension_numbers = #tpu.dot_dimension_numbers<[1], [0], [0], [1], [0, 0, 1, 1], [], []>, transpose_lhs_hint = false} : vector<256x128xf32>, vector<128x256xf32>, vector<256x256xf32> -> vector<256x256xf32>
    %slice3A_160 = vector.extract_strided_slice %dot_general3A_159 {offsets = [0, 0], sizes = [256, 128], strides = [1, 1]} : vector<256x256xf32> to vector<256x128xf32>
    %add3A_161 = arith.addf %slice3A_160, %add3A_154 : vector<256x128xf32>
    %swap3A_162 = arith.constant 0 : index
    %swap3A_163 = arith.constant 1664 : index
    %swap3A_164 = vector.load %arg3[%swap3A_162, %swap3A_163] : memref<256x8192xf32, #tpu.memory_space<vmem>>, vector<256x128xf32>
    tpu.vector_store %arg3[%swap3A_162, %swap3A_163], %add3A_161 {strides = array<i32>} : memref<256x8192xf32, #tpu.memory_space<vmem>>, vector<256x128xf32>,
    %slice3A_165 = vector.extract_strided_slice %dot_general3A_159 {offsets = [0, 128], sizes = [256, 128], strides = [1, 1]} : vector<256x256xf32> to vector<256x128xf32>
    %add3A_166 = arith.addf %add3A_154, %slice3A_165 : vector<256x128xf32>
    %get3A_167 = arith.constant 0 : index
    %get3A_168 = arith.constant 1792 : index
    %get3A_169 = vector.load %arg2[%get3A_167, %get3A_168] : memref<256x8192xf32, #tpu.memory_space<vmem>>, vector<256x128xf32>
    %dot_general3A_170 = arith.constant dense<0.000000e+00> : vector<256x256xf32>
    %dot_general3A_171 = tpu.matmul %get3A_169, %get3A_1, %dot_general3A_170 {dimension_numbers = #tpu.dot_dimension_numbers<[1], [0], [0], [1], [0, 0, 1, 1], [], []>, transpose_lhs_hint = false} : vector<256x128xf32>, vector<128x256xf32>, vector<256x256xf32> -> vector<256x256xf32>
    %slice3A_172 = vector.extract_strided_slice %dot_general3A_171 {offsets = [0, 0], sizes = [256, 128], strides = [1, 1]} : vector<256x256xf32> to vector<256x128xf32>
    %add3A_173 = arith.addf %slice3A_172, %add3A_166 : vector<256x128xf32>
    %swap3A_174 = arith.constant 0 : index
    %swap3A_175 = arith.constant 1792 : index
    %swap3A_176 = vector.load %arg3[%swap3A_174, %swap3A_175] : memref<256x8192xf32, #tpu.memory_space<vmem>>, vector<256x128xf32>
    tpu.vector_store %arg3[%swap3A_174, %swap3A_175], %add3A_173 {strides = array<i32>} : memref<256x8192xf32, #tpu.memory_space<vmem>>, vector<256x128xf32>,
    %slice3A_177 = vector.extract_strided_slice %dot_general3A_171 {offsets = [0, 128], sizes = [256, 128], strides = [1, 1]} : vector<256x256xf32> to vector<256x128xf32>
    %add3A_178 = arith.addf %add3A_166, %slice3A_177 : vector<256x128xf32>
    %get3A_179 = arith.constant 0 : index
    %get3A_180 = arith.constant 1920 : index
    %get3A_181 = vector.load %arg2[%get3A_179, %get3A_180] : memref<256x8192xf32, #tpu.memory_space<vmem>>, vector<256x128xf32>
    %dot_general3A_182 = arith.constant dense<0.000000e+00> : vector<256x256xf32>
    %dot_general3A_183 = tpu.matmul %get3A_181, %get3A_1, %dot_general3A_182 {dimension_numbers = #tpu.dot_dimension_numbers<[1], [0], [0], [1], [0, 0, 1, 1], [], []>, transpose_lhs_hint = false} : vector<256x128xf32>, vector<128x256xf32>, vector<256x256xf32> -> vector<256x256xf32>
    %slice3A_184 = vector.extract_strided_slice %dot_general3A_183 {offsets = [0, 0], sizes = [256, 128], strides = [1, 1]} : vector<256x256xf32> to vector<256x128xf32>
    %add3A_185 = arith.addf %slice3A_184, %add3A_178 : vector<256x128xf32>
    %swap3A_186 = arith.constant 0 : index
    %swap3A_187 = arith.constant 1920 : index
    %swap3A_188 = vector.load %arg3[%swap3A_186, %swap3A_187] : memref<256x8192xf32, #tpu.memory_space<vmem>>, vector<256x128xf32>
    tpu.vector_store %arg3[%swap3A_186, %swap3A_187], %add3A_185 {strides = array<i32>} : memref<256x8192xf32, #tpu.memory_space<vmem>>, vector<256x128xf32>,
    %slice3A_189 = vector.extract_strided_slice %dot_general3A_183 {offsets = [0, 128], sizes = [256, 128], strides = [1, 1]} : vector<256x256xf32> to vector<256x128xf32>
    %add3A_190 = arith.addf %add3A_178, %slice3A_189 : vector<256x128xf32>
    %get3A_191 = arith.constant 0 : index
    %get3A_192 = arith.constant 2048 : index
    %get3A_193 = vector.load %arg2[%get3A_191, %get3A_192] : memref<256x8192xf32, #tpu.memory_space<vmem>>, vector<256x128xf32>
    %dot_general3A_194 = arith.constant dense<0.000000e+00> : vector<256x256xf32>
    %dot_general3A_195 = tpu.matmul %get3A_193, %get3A_1, %dot_general3A_194 {dimension_numbers = #tpu.dot_dimension_numbers<[1], [0], [0], [1], [0, 0, 1, 1], [], []>, transpose_lhs_hint = false} : vector<256x128xf32>, vector<128x256xf32>, vector<256x256xf32> -> vector<256x256xf32>
    %slice3A_196 = vector.extract_strided_slice %dot_general3A_195 {offsets = [0, 0], sizes = [256, 128], strides = [1, 1]} : vector<256x256xf32> to vector<256x128xf32>
    %add3A_197 = arith.addf %slice3A_196, %add3A_190 : vector<256x128xf32>
    %swap3A_198 = arith.constant 0 : index
    %swap3A_199 = arith.constant 2048 : index
    %swap3A_200 = vector.load %arg3[%swap3A_198, %swap3A_199] : memref<256x8192xf32, #tpu.memory_space<vmem>>, vector<256x128xf32>
    tpu.vector_store %arg3[%swap3A_198, %swap3A_199], %add3A_197 {strides = array<i32>} : memref<256x8192xf32, #tpu.memory_space<vmem>>, vector<256x128xf32>,
    %slice3A_201 = vector.extract_strided_slice %dot_general3A_195 {offsets = [0, 128], sizes = [256, 128], strides = [1, 1]} : vector<256x256xf32> to vector<256x128xf32>
    %add3A_202 = arith.addf %add3A_190, %slice3A_201 : vector<256x128xf32>
    %get3A_203 = arith.constant 0 : index
    %get3A_204 = arith.constant 2176 : index
    %get3A_205 = vector.load %arg2[%get3A_203, %get3A_204] : memref<256x8192xf32, #tpu.memory_space<vmem>>, vector<256x128xf32>
    %dot_general3A_206 = arith.constant dense<0.000000e+00> : vector<256x256xf32>
    %dot_general3A_207 = tpu.matmul %get3A_205, %get3A_1, %dot_general3A_206 {dimension_numbers = #tpu.dot_dimension_numbers<[1], [0], [0], [1], [0, 0, 1, 1], [], []>, transpose_lhs_hint = false} : vector<256x128xf32>, vector<128x256xf32>, vector<256x256xf32> -> vector<256x256xf32>
    %slice3A_208 = vector.extract_strided_slice %dot_general3A_207 {offsets = [0, 0], sizes = [256, 128], strides = [1, 1]} : vector<256x256xf32> to vector<256x128xf32>
    %add3A_209 = arith.addf %slice3A_208, %add3A_202 : vector<256x128xf32>
    %swap3A_210 = arith.constant 0 : index
    %swap3A_211 = arith.constant 2176 : index
    %swap3A_212 = vector.load %arg3[%swap3A_210, %swap3A_211] : memref<256x8192xf32, #tpu.memory_space<vmem>>, vector<256x128xf32>
    tpu.vector_store %arg3[%swap3A_210, %swap3A_211], %add3A_209 {strides = array<i32>} : memref<256x8192xf32, #tpu.memory_space<vmem>>, vector<256x128xf32>,
    %slice3A_213 = vector.extract_strided_slice %dot_general3A_207 {offsets = [0, 128], sizes = [256, 128], strides = [1, 1]} : vector<256x256xf32> to vector<256x128xf32>
    %add3A_214 = arith.addf %add3A_202, %slice3A_213 : vector<256x128xf32>
    %get3A_215 = arith.constant 0 : index
    %get3A_216 = arith.constant 2304 : index
    %get3A_217 = vector.load %arg2[%get3A_215, %get3A_216] : memref<256x8192xf32, #tpu.memory_space<vmem>>, vector<256x128xf32>
    %dot_general3A_218 = arith.constant dense<0.000000e+00> : vector<256x256xf32>
    %dot_general3A_219 = tpu.matmul %get3A_217, %get3A_1, %dot_general3A_218 {dimension_numbers = #tpu.dot_dimension_numbers<[1], [0], [0], [1], [0, 0, 1, 1], [], []>, transpose_lhs_hint = false} : vector<256x128xf32>, vector<128x256xf32>, vector<256x256xf32> -> vector<256x256xf32>
    %slice3A_220 = vector.extract_strided_slice %dot_general3A_219 {offsets = [0, 0], sizes = [256, 128], strides = [1, 1]} : vector<256x256xf32> to vector<256x128xf32>
    %add3A_221 = arith.addf %slice3A_220, %add3A_214 : vector<256x128xf32>
    %swap3A_222 = arith.constant 0 : index
    %swap3A_223 = arith.constant 2304 : index
    %swap3A_224 = vector.load %arg3[%swap3A_222, %swap3A_223] : memref<256x8192xf32, #tpu.memory_space<vmem>>, vector<256x128xf32>
    tpu.vector_store %arg3[%swap3A_222, %swap3A_223], %add3A_221 {strides = array<i32>} : memref<256x8192xf32, #tpu.memory_space<vmem>>, vector<256x128xf32>,
    %slice3A_225 = vector.extract_strided_slice %dot_general3A_219 {offsets = [0, 128], sizes = [256, 128], strides = [1, 1]} : vector<256x256xf32> to vector<256x128xf32>
    %add3A_226 = arith.addf %add3A_214, %slice3A_225 : vector<256x128xf32>
    %get3A_227 = arith.constant 0 : index
    %get3A_228 = arith.constant 2432 : index
    %get3A_229 = vector.load %arg2[%get3A_227, %get3A_228] : memref<256x8192xf32, #tpu.memory_space<vmem>>, vector<256x128xf32>
    %dot_general3A_230 = arith.constant dense<0.000000e+00> : vector<256x256xf32>
    %dot_general3A_231 = tpu.matmul %get3A_229, %get3A_1, %dot_general3A_230 {dimension_numbers = #tpu.dot_dimension_numbers<[1], [0], [0], [1], [0, 0, 1, 1], [], []>, transpose_lhs_hint = false} : vector<256x128xf32>, vector<128x256xf32>, vector<256x256xf32> -> vector<256x256xf32>
    %slice3A_232 = vector.extract_strided_slice %dot_general3A_231 {offsets = [0, 0], sizes = [256, 128], strides = [1, 1]} : vector<256x256xf32> to vector<256x128xf32>
    %add3A_233 = arith.addf %slice3A_232, %add3A_226 : vector<256x128xf32>
    %swap3A_234 = arith.constant 0 : index
    %swap3A_235 = arith.constant 2432 : index
    %swap3A_236 = vector.load %arg3[%swap3A_234, %swap3A_235] : memref<256x8192xf32, #tpu.memory_space<vmem>>, vector<256x128xf32>
    tpu.vector_store %arg3[%swap3A_234, %swap3A_235], %add3A_233 {strides = array<i32>} : memref<256x8192xf32, #tpu.memory_space<vmem>>, vector<256x128xf32>,
    %slice3A_237 = vector.extract_strided_slice %dot_general3A_231 {offsets = [0, 128], sizes = [256, 128], strides = [1, 1]} : vector<256x256xf32> to vector<256x128xf32>
    %add3A_238 = arith.addf %add3A_226, %slice3A_237 : vector<256x128xf32>
    %get3A_239 = arith.constant 0 : index
    %get3A_240 = arith.constant 2560 : index
    %get3A_241 = vector.load %arg2[%get3A_239, %get3A_240] : memref<256x8192xf32, #tpu.memory_space<vmem>>, vector<256x128xf32>
    %dot_general3A_242 = arith.constant dense<0.000000e+00> : vector<256x256xf32>
    %dot_general3A_243 = tpu.matmul %get3A_241, %get3A_1, %dot_general3A_242 {dimension_numbers = #tpu.dot_dimension_numbers<[1], [0], [0], [1], [0, 0, 1, 1], [], []>, transpose_lhs_hint = false} : vector<256x128xf32>, vector<128x256xf32>, vector<256x256xf32> -> vector<256x256xf32>
    %slice3A_244 = vector.extract_strided_slice %dot_general3A_243 {offsets = [0, 0], sizes = [256, 128], strides = [1, 1]} : vector<256x256xf32> to vector<256x128xf32>
    %add3A_245 = arith.addf %slice3A_244, %add3A_238 : vector<256x128xf32>
    %swap3A_246 = arith.constant 0 : index
    %swap3A_247 = arith.constant 2560 : index
    %swap3A_248 = vector.load %arg3[%swap3A_246, %swap3A_247] : memref<256x8192xf32, #tpu.memory_space<vmem>>, vector<256x128xf32>
    tpu.vector_store %arg3[%swap3A_246, %swap3A_247], %add3A_245 {strides = array<i32>} : memref<256x8192xf32, #tpu.memory_space<vmem>>, vector<256x128xf32>,
    %slice3A_249 = vector.extract_strided_slice %dot_general3A_243 {offsets = [0, 128], sizes = [256, 128], strides = [1, 1]} : vector<256x256xf32> to vector<256x128xf32>
    %add3A_250 = arith.addf %add3A_238, %slice3A_249 : vector<256x128xf32>
    %get3A_251 = arith.constant 0 : index
    %get3A_252 = arith.constant 2688 : index
    %get3A_253 = vector.load %arg2[%get3A_251, %get3A_252] : memref<256x8192xf32, #tpu.memory_space<vmem>>, vector<256x128xf32>
    %dot_general3A_254 = arith.constant dense<0.000000e+00> : vector<256x256xf32>
    %dot_general3A_255 = tpu.matmul %get3A_253, %get3A_1, %dot_general3A_254 {dimension_numbers = #tpu.dot_dimension_numbers<[1], [0], [0], [1], [0, 0, 1, 1], [], []>, transpose_lhs_hint = false} : vector<256x128xf32>, vector<128x256xf32>, vector<256x256xf32> -> vector<256x256xf32>
    %slice3A_256 = vector.extract_strided_slice %dot_general3A_255 {offsets = [0, 0], sizes = [256, 128], strides = [1, 1]} : vector<256x256xf32> to vector<256x128xf32>
    %add3A_257 = arith.addf %slice3A_256, %add3A_250 : vector<256x128xf32>
    %swap3A_258 = arith.constant 0 : index
    %swap3A_259 = arith.constant 2688 : index
    %swap3A_260 = vector.load %arg3[%swap3A_258, %swap3A_259] : memref<256x8192xf32, #tpu.memory_space<vmem>>, vector<256x128xf32>
    tpu.vector_store %arg3[%swap3A_258, %swap3A_259], %add3A_257 {strides = array<i32>} : memref<256x8192xf32, #tpu.memory_space<vmem>>, vector<256x128xf32>,
    %slice3A_261 = vector.extract_strided_slice %dot_general3A_255 {offsets = [0, 128], sizes = [256, 128], strides = [1, 1]} : vector<256x256xf32> to vector<256x128xf32>
    %add3A_262 = arith.addf %add3A_250, %slice3A_261 : vector<256x128xf32>
    %get3A_263 = arith.constant 0 : index
    %get3A_264 = arith.constant 2816 : index
    %get3A_265 = vector.load %arg2[%get3A_263, %get3A_264] : memref<256x8192xf32, #tpu.memory_space<vmem>>, vector<256x128xf32>
    %dot_general3A_266 = arith.constant dense<0.000000e+00> : vector<256x256xf32>
    %dot_general3A_267 = tpu.matmul %get3A_265, %get3A_1, %dot_general3A_266 {dimension_numbers = #tpu.dot_dimension_numbers<[1], [0], [0], [1], [0, 0, 1, 1], [], []>, transpose_lhs_hint = false} : vector<256x128xf32>, vector<128x256xf32>, vector<256x256xf32> -> vector<256x256xf32>
    %slice3A_268 = vector.extract_strided_slice %dot_general3A_267 {offsets = [0, 0], sizes = [256, 128], strides = [1, 1]} : vector<256x256xf32> to vector<256x128xf32>
    %add3A_269 = arith.addf %slice3A_268, %add3A_262 : vector<256x128xf32>
    %swap3A_270 = arith.constant 0 : index
    %swap3A_271 = arith.constant 2816 : index
    %swap3A_272 = vector.load %arg3[%swap3A_270, %swap3A_271] : memref<256x8192xf32, #tpu.memory_space<vmem>>, vector<256x128xf32>
    tpu.vector_store %arg3[%swap3A_270, %swap3A_271], %add3A_269 {strides = array<i32>} : memref<256x8192xf32, #tpu.memory_space<vmem>>, vector<256x128xf32>,
    %slice3A_273 = vector.extract_strided_slice %dot_general3A_267 {offsets = [0, 128], sizes = [256, 128], strides = [1, 1]} : vector<256x256xf32> to vector<256x128xf32>
    %add3A_274 = arith.addf %add3A_262, %slice3A_273 : vector<256x128xf32>
    %get3A_275 = arith.constant 0 : index
    %get3A_276 = arith.constant 2944 : index
    %get3A_277 = vector.load %arg2[%get3A_275, %get3A_276] : memref<256x8192xf32, #tpu.memory_space<vmem>>, vector<256x128xf32>
    %dot_general3A_278 = arith.constant dense<0.000000e+00> : vector<256x256xf32>
    %dot_general3A_279 = tpu.matmul %get3A_277, %get3A_1, %dot_general3A_278 {dimension_numbers = #tpu.dot_dimension_numbers<[1], [0], [0], [1], [0, 0, 1, 1], [], []>, transpose_lhs_hint = false} : vector<256x128xf32>, vector<128x256xf32>, vector<256x256xf32> -> vector<256x256xf32>
    %slice3A_280 = vector.extract_strided_slice %dot_general3A_279 {offsets = [0, 0], sizes = [256, 128], strides = [1, 1]} : vector<256x256xf32> to vector<256x128xf32>
    %add3A_281 = arith.addf %slice3A_280, %add3A_274 : vector<256x128xf32>
    %swap3A_282 = arith.constant 0 : index
    %swap3A_283 = arith.constant 2944 : index
    %swap3A_284 = vector.load %arg3[%swap3A_282, %swap3A_283] : memref<256x8192xf32, #tpu.memory_space<vmem>>, vector<256x128xf32>
    tpu.vector_store %arg3[%swap3A_282, %swap3A_283], %add3A_281 {strides = array<i32>} : memref<256x8192xf32, #tpu.memory_space<vmem>>, vector<256x128xf32>,
    %slice3A_285 = vector.extract_strided_slice %dot_general3A_279 {offsets = [0, 128], sizes = [256, 128], strides = [1, 1]} : vector<256x256xf32> to vector<256x128xf32>
    %add3A_286 = arith.addf %add3A_274, %slice3A_285 : vector<256x128xf32>
    %get3A_287 = arith.constant 0 : index
    %get3A_288 = arith.constant 3072 : index
    %get3A_289 = vector.load %arg2[%get3A_287, %get3A_288] : memref<256x8192xf32, #tpu.memory_space<vmem>>, vector<256x128xf32>
    %dot_general3A_290 = arith.constant dense<0.000000e+00> : vector<256x256xf32>
    %dot_general3A_291 = tpu.matmul %get3A_289, %get3A_1, %dot_general3A_290 {dimension_numbers = #tpu.dot_dimension_numbers<[1], [0], [0], [1], [0, 0, 1, 1], [], []>, transpose_lhs_hint = false} : vector<256x128xf32>, vector<128x256xf32>, vector<256x256xf32> -> vector<256x256xf32>
    %slice3A_292 = vector.extract_strided_slice %dot_general3A_291 {offsets = [0, 0], sizes = [256, 128], strides = [1, 1]} : vector<256x256xf32> to vector<256x128xf32>
    %add3A_293 = arith.addf %slice3A_292, %add3A_286 : vector<256x128xf32>
    %swap3A_294 = arith.constant 0 : index
    %swap3A_295 = arith.constant 3072 : index
    %swap3A_296 = vector.load %arg3[%swap3A_294, %swap3A_295] : memref<256x8192xf32, #tpu.memory_space<vmem>>, vector<256x128xf32>
    tpu.vector_store %arg3[%swap3A_294, %swap3A_295], %add3A_293 {strides = array<i32>} : memref<256x8192xf32, #tpu.memory_space<vmem>>, vector<256x128xf32>,
    %slice3A_297 = vector.extract_strided_slice %dot_general3A_291 {offsets = [0, 128], sizes = [256, 128], strides = [1, 1]} : vector<256x256xf32> to vector<256x128xf32>
    %add3A_298 = arith.addf %add3A_286, %slice3A_297 : vector<256x128xf32>
    %get3A_299 = arith.constant 0 : index
    %get3A_300 = arith.constant 3200 : index
    %get3A_301 = vector.load %arg2[%get3A_299, %get3A_300] : memref<256x8192xf32, #tpu.memory_space<vmem>>, vector<256x128xf32>
    %dot_general3A_302 = arith.constant dense<0.000000e+00> : vector<256x256xf32>
    %dot_general3A_303 = tpu.matmul %get3A_301, %get3A_1, %dot_general3A_302 {dimension_numbers = #tpu.dot_dimension_numbers<[1], [0], [0], [1], [0, 0, 1, 1], [], []>, transpose_lhs_hint = false} : vector<256x128xf32>, vector<128x256xf32>, vector<256x256xf32> -> vector<256x256xf32>
    %slice3A_304 = vector.extract_strided_slice %dot_general3A_303 {offsets = [0, 0], sizes = [256, 128], strides = [1, 1]} : vector<256x256xf32> to vector<256x128xf32>
    %add3A_305 = arith.addf %slice3A_304, %add3A_298 : vector<256x128xf32>
    %swap3A_306 = arith.constant 0 : index
    %swap3A_307 = arith.constant 3200 : index
    %swap3A_308 = vector.load %arg3[%swap3A_306, %swap3A_307] : memref<256x8192xf32, #tpu.memory_space<vmem>>, vector<256x128xf32>
    tpu.vector_store %arg3[%swap3A_306, %swap3A_307], %add3A_305 {strides = array<i32>} : memref<256x8192xf32, #tpu.memory_space<vmem>>, vector<256x128xf32>,
    %slice3A_309 = vector.extract_strided_slice %dot_general3A_303 {offsets = [0, 128], sizes = [256, 128], strides = [1, 1]} : vector<256x256xf32> to vector<256x128xf32>
    %add3A_310 = arith.addf %add3A_298, %slice3A_309 : vector<256x128xf32>
    %get3A_311 = arith.constant 0 : index
    %get3A_312 = arith.constant 3328 : index
    %get3A_313 = vector.load %arg2[%get3A_311, %get3A_312] : memref<256x8192xf32, #tpu.memory_space<vmem>>, vector<256x128xf32>
    %dot_general3A_314 = arith.constant dense<0.000000e+00> : vector<256x256xf32>
    %dot_general3A_315 = tpu.matmul %get3A_313, %get3A_1, %dot_general3A_314 {dimension_numbers = #tpu.dot_dimension_numbers<[1], [0], [0], [1], [0, 0, 1, 1], [], []>, transpose_lhs_hint = false} : vector<256x128xf32>, vector<128x256xf32>, vector<256x256xf32> -> vector<256x256xf32>
    %slice3A_316 = vector.extract_strided_slice %dot_general3A_315 {offsets = [0, 0], sizes = [256, 128], strides = [1, 1]} : vector<256x256xf32> to vector<256x128xf32>
    %add3A_317 = arith.addf %slice3A_316, %add3A_310 : vector<256x128xf32>
    %swap3A_318 = arith.constant 0 : index
    %swap3A_319 = arith.constant 3328 : index
    %swap3A_320 = vector.load %arg3[%swap3A_318, %swap3A_319] : memref<256x8192xf32, #tpu.memory_space<vmem>>, vector<256x128xf32>
    tpu.vector_store %arg3[%swap3A_318, %swap3A_319], %add3A_317 {strides = array<i32>} : memref<256x8192xf32, #tpu.memory_space<vmem>>, vector<256x128xf32>,
    %slice3A_321 = vector.extract_strided_slice %dot_general3A_315 {offsets = [0, 128], sizes = [256, 128], strides = [1, 1]} : vector<256x256xf32> to vector<256x128xf32>
    %add3A_322 = arith.addf %add3A_310, %slice3A_321 : vector<256x128xf32>
    %get3A_323 = arith.constant 0 : index
    %get3A_324 = arith.constant 3456 : index
    %get3A_325 = vector.load %arg2[%get3A_323, %get3A_324] : memref<256x8192xf32, #tpu.memory_space<vmem>>, vector<256x128xf32>
    %dot_general3A_326 = arith.constant dense<0.000000e+00> : vector<256x256xf32>
    %dot_general3A_327 = tpu.matmul %get3A_325, %get3A_1, %dot_general3A_326 {dimension_numbers = #tpu.dot_dimension_numbers<[1], [0], [0], [1], [0, 0, 1, 1], [], []>, transpose_lhs_hint = false} : vector<256x128xf32>, vector<128x256xf32>, vector<256x256xf32> -> vector<256x256xf32>
    %slice3A_328 = vector.extract_strided_slice %dot_general3A_327 {offsets = [0, 0], sizes = [256, 128], strides = [1, 1]} : vector<256x256xf32> to vector<256x128xf32>
    %add3A_329 = arith.addf %slice3A_328, %add3A_322 : vector<256x128xf32>
    %swap3A_330 = arith.constant 0 : index
    %swap3A_331 = arith.constant 3456 : index
    %swap3A_332 = vector.load %arg3[%swap3A_330, %swap3A_331] : memref<256x8192xf32, #tpu.memory_space<vmem>>, vector<256x128xf32>
    tpu.vector_store %arg3[%swap3A_330, %swap3A_331], %add3A_329 {strides = array<i32>} : memref<256x8192xf32, #tpu.memory_space<vmem>>, vector<256x128xf32>,
    %slice3A_333 = vector.extract_strided_slice %dot_general3A_327 {offsets = [0, 128], sizes = [256, 128], strides = [1, 1]} : vector<256x256xf32> to vector<256x128xf32>
    %add3A_334 = arith.addf %add3A_322, %slice3A_333 : vector<256x128xf32>
    %get3A_335 = arith.constant 0 : index
    %get3A_336 = arith.constant 3584 : index
    %get3A_337 = vector.load %arg2[%get3A_335, %get3A_336] : memref<256x8192xf32, #tpu.memory_space<vmem>>, vector<256x128xf32>
    %dot_general3A_338 = arith.constant dense<0.000000e+00> : vector<256x256xf32>
    %dot_general3A_339 = tpu.matmul %get3A_337, %get3A_1, %dot_general3A_338 {dimension_numbers = #tpu.dot_dimension_numbers<[1], [0], [0], [1], [0, 0, 1, 1], [], []>, transpose_lhs_hint = false} : vector<256x128xf32>, vector<128x256xf32>, vector<256x256xf32> -> vector<256x256xf32>
    %slice3A_340 = vector.extract_strided_slice %dot_general3A_339 {offsets = [0, 0], sizes = [256, 128], strides = [1, 1]} : vector<256x256xf32> to vector<256x128xf32>
    %add3A_341 = arith.addf %slice3A_340, %add3A_334 : vector<256x128xf32>
    %swap3A_342 = arith.constant 0 : index
    %swap3A_343 = arith.constant 3584 : index
    %swap3A_344 = vector.load %arg3[%swap3A_342, %swap3A_343] : memref<256x8192xf32, #tpu.memory_space<vmem>>, vector<256x128xf32>
    tpu.vector_store %arg3[%swap3A_342, %swap3A_343], %add3A_341 {strides = array<i32>} : memref<256x8192xf32, #tpu.memory_space<vmem>>, vector<256x128xf32>,
    %slice3A_345 = vector.extract_strided_slice %dot_general3A_339 {offsets = [0, 128], sizes = [256, 128], strides = [1, 1]} : vector<256x256xf32> to vector<256x128xf32>
    %add3A_346 = arith.addf %add3A_334, %slice3A_345 : vector<256x128xf32>
    %get3A_347 = arith.constant 0 : index
    %get3A_348 = arith.constant 3712 : index
    %get3A_349 = vector.load %arg2[%get3A_347, %get3A_348] : memref<256x8192xf32, #tpu.memory_space<vmem>>, vector<256x128xf32>
    %dot_general3A_350 = arith.constant dense<0.000000e+00> : vector<256x256xf32>
    %dot_general3A_351 = tpu.matmul %get3A_349, %get3A_1, %dot_general3A_350 {dimension_numbers = #tpu.dot_dimension_numbers<[1], [0], [0], [1], [0, 0, 1, 1], [], []>, transpose_lhs_hint = false} : vector<256x128xf32>, vector<128x256xf32>, vector<256x256xf32> -> vector<256x256xf32>
    %slice3A_352 = vector.extract_strided_slice %dot_general3A_351 {offsets = [0, 0], sizes = [256, 128], strides = [1, 1]} : vector<256x256xf32> to vector<256x128xf32>
    %add3A_353 = arith.addf %slice3A_352, %add3A_346 : vector<256x128xf32>
    %swap3A_354 = arith.constant 0 : index
    %swap3A_355 = arith.constant 3712 : index
    %swap3A_356 = vector.load %arg3[%swap3A_354, %swap3A_355] : memref<256x8192xf32, #tpu.memory_space<vmem>>, vector<256x128xf32>
    tpu.vector_store %arg3[%swap3A_354, %swap3A_355], %add3A_353 {strides = array<i32>} : memref<256x8192xf32, #tpu.memory_space<vmem>>, vector<256x128xf32>,
    %slice3A_357 = vector.extract_strided_slice %dot_general3A_351 {offsets = [0, 128], sizes = [256, 128], strides = [1, 1]} : vector<256x256xf32> to vector<256x128xf32>
    %add3A_358 = arith.addf %add3A_346, %slice3A_357 : vector<256x128xf32>
    %get3A_359 = arith.constant 0 : index
    %get3A_360 = arith.constant 3840 : index
    %get3A_361 = vector.load %arg2[%get3A_359, %get3A_360] : memref<256x8192xf32, #tpu.memory_space<vmem>>, vector<256x128xf32>
    %dot_general3A_362 = arith.constant dense<0.000000e+00> : vector<256x256xf32>
    %dot_general3A_363 = tpu.matmul %get3A_361, %get3A_1, %dot_general3A_362 {dimension_numbers = #tpu.dot_dimension_numbers<[1], [0], [0], [1], [0, 0, 1, 1], [], []>, transpose_lhs_hint = false} : vector<256x128xf32>, vector<128x256xf32>, vector<256x256xf32> -> vector<256x256xf32>
    %slice3A_364 = vector.extract_strided_slice %dot_general3A_363 {offsets = [0, 0], sizes = [256, 128], strides = [1, 1]} : vector<256x256xf32> to vector<256x128xf32>
    %add3A_365 = arith.addf %slice3A_364, %add3A_358 : vector<256x128xf32>
    %swap3A_366 = arith.constant 0 : index
    %swap3A_367 = arith.constant 3840 : index
    %swap3A_368 = vector.load %arg3[%swap3A_366, %swap3A_367] : memref<256x8192xf32, #tpu.memory_space<vmem>>, vector<256x128xf32>
    tpu.vector_store %arg3[%swap3A_366, %swap3A_367], %add3A_365 {strides = array<i32>} : memref<256x8192xf32, #tpu.memory_space<vmem>>, vector<256x128xf32>,
    %slice3A_369 = vector.extract_strided_slice %dot_general3A_363 {offsets = [0, 128], sizes = [256, 128], strides = [1, 1]} : vector<256x256xf32> to vector<256x128xf32>
    %add3A_370 = arith.addf %add3A_358, %slice3A_369 : vector<256x128xf32>
    %get3A_371 = arith.constant 0 : index
    %get3A_372 = arith.constant 3968 : index
    %get3A_373 = vector.load %arg2[%get3A_371, %get3A_372] : memref<256x8192xf32, #tpu.memory_space<vmem>>, vector<256x128xf32>
    %dot_general3A_374 = arith.constant dense<0.000000e+00> : vector<256x256xf32>
    %dot_general3A_375 = tpu.matmul %get3A_373, %get3A_1, %dot_general3A_374 {dimension_numbers = #tpu.dot_dimension_numbers<[1], [0], [0], [1], [0, 0, 1, 1], [], []>, transpose_lhs_hint = false} : vector<256x128xf32>, vector<128x256xf32>, vector<256x256xf32> -> vector<256x256xf32>
    %slice3A_376 = vector.extract_strided_slice %dot_general3A_375 {offsets = [0, 0], sizes = [256, 128], strides = [1, 1]} : vector<256x256xf32> to vector<256x128xf32>
    %add3A_377 = arith.addf %slice3A_376, %add3A_370 : vector<256x128xf32>
    %swap3A_378 = arith.constant 0 : index
    %swap3A_379 = arith.constant 3968 : index
    %swap3A_380 = vector.load %arg3[%swap3A_378, %swap3A_379] : memref<256x8192xf32, #tpu.memory_space<vmem>>, vector<256x128xf32>
    tpu.vector_store %arg3[%swap3A_378, %swap3A_379], %add3A_377 {strides = array<i32>} : memref<256x8192xf32, #tpu.memory_space<vmem>>, vector<256x128xf32>,
    %slice3A_381 = vector.extract_strided_slice %dot_general3A_375 {offsets = [0, 128], sizes = [256, 128], strides = [1, 1]} : vector<256x256xf32> to vector<256x128xf32>
    %add3A_382 = arith.addf %add3A_370, %slice3A_381 : vector<256x128xf32>
    %get3A_383 = arith.constant 0 : index
    %get3A_384 = arith.constant 4096 : index
    %get3A_385 = vector.load %arg2[%get3A_383, %get3A_384] : memref<256x8192xf32, #tpu.memory_space<vmem>>, vector<256x128xf32>
    %dot_general3A_386 = arith.constant dense<0.000000e+00> : vector<256x256xf32>
    %dot_general3A_387 = tpu.matmul %get3A_385, %get3A_1, %dot_general3A_386 {dimension_numbers = #tpu.dot_dimension_numbers<[1], [0], [0], [1], [0, 0, 1, 1], [], []>, transpose_lhs_hint = false} : vector<256x128xf32>, vector<128x256xf32>, vector<256x256xf32> -> vector<256x256xf32>
    %slice3A_388 = vector.extract_strided_slice %dot_general3A_387 {offsets = [0, 0], sizes = [256, 128], strides = [1, 1]} : vector<256x256xf32> to vector<256x128xf32>
    %add3A_389 = arith.addf %slice3A_388, %add3A_382 : vector<256x128xf32>
    %swap3A_390 = arith.constant 0 : index
    %swap3A_391 = arith.constant 4096 : index
    %swap3A_392 = vector.load %arg3[%swap3A_390, %swap3A_391] : memref<256x8192xf32, #tpu.memory_space<vmem>>, vector<256x128xf32>
    tpu.vector_store %arg3[%swap3A_390, %swap3A_391], %add3A_389 {strides = array<i32>} : memref<256x8192xf32, #tpu.memory_space<vmem>>, vector<256x128xf32>,
    %slice3A_393 = vector.extract_strided_slice %dot_general3A_387 {offsets = [0, 128], sizes = [256, 128], strides = [1, 1]} : vector<256x256xf32> to vector<256x128xf32>
    %add3A_394 = arith.addf %add3A_382, %slice3A_393 : vector<256x128xf32>
    %get3A_395 = arith.constant 0 : index
    %get3A_396 = arith.constant 4224 : index
    %get3A_397 = vector.load %arg2[%get3A_395, %get3A_396] : memref<256x8192xf32, #tpu.memory_space<vmem>>, vector<256x128xf32>
    %dot_general3A_398 = arith.constant dense<0.000000e+00> : vector<256x256xf32>
    %dot_general3A_399 = tpu.matmul %get3A_397, %get3A_1, %dot_general3A_398 {dimension_numbers = #tpu.dot_dimension_numbers<[1], [0], [0], [1], [0, 0, 1, 1], [], []>, transpose_lhs_hint = false} : vector<256x128xf32>, vector<128x256xf32>, vector<256x256xf32> -> vector<256x256xf32>
    %slice3A_400 = vector.extract_strided_slice %dot_general3A_399 {offsets = [0, 0], sizes = [256, 128], strides = [1, 1]} : vector<256x256xf32> to vector<256x128xf32>
    %add3A_401 = arith.addf %slice3A_400, %add3A_394 : vector<256x128xf32>
    %swap3A_402 = arith.constant 0 : index
    %swap3A_403 = arith.constant 4224 : index
    %swap3A_404 = vector.load %arg3[%swap3A_402, %swap3A_403] : memref<256x8192xf32, #tpu.memory_space<vmem>>, vector<256x128xf32>
    tpu.vector_store %arg3[%swap3A_402, %swap3A_403], %add3A_401 {strides = array<i32>} : memref<256x8192xf32, #tpu.memory_space<vmem>>, vector<256x128xf32>,
    %slice3A_405 = vector.extract_strided_slice %dot_general3A_399 {offsets = [0, 128], sizes = [256, 128], strides = [1, 1]} : vector<256x256xf32> to vector<256x128xf32>
    %add3A_406 = arith.addf %add3A_394, %slice3A_405 : vector<256x128xf32>
    %get3A_407 = arith.constant 0 : index
    %get3A_408 = arith.constant 4352 : index
    %get3A_409 = vector.load %arg2[%get3A_407, %get3A_408] : memref<256x8192xf32, #tpu.memory_space<vmem>>, vector<256x128xf32>
    %dot_general3A_410 = arith.constant dense<0.000000e+00> : vector<256x256xf32>
    %dot_general3A_411 = tpu.matmul %get3A_409, %get3A_1, %dot_general3A_410 {dimension_numbers = #tpu.dot_dimension_numbers<[1], [0], [0], [1], [0, 0, 1, 1], [], []>, transpose_lhs_hint = false} : vector<256x128xf32>, vector<128x256xf32>, vector<256x256xf32> -> vector<256x256xf32>
    %slice3A_412 = vector.extract_strided_slice %dot_general3A_411 {offsets = [0, 0], sizes = [256, 128], strides = [1, 1]} : vector<256x256xf32> to vector<256x128xf32>
    %add3A_413 = arith.addf %slice3A_412, %add3A_406 : vector<256x128xf32>
    %swap3A_414 = arith.constant 0 : index
    %swap3A_415 = arith.constant 4352 : index
    %swap3A_416 = vector.load %arg3[%swap3A_414, %swap3A_415] : memref<256x8192xf32, #tpu.memory_space<vmem>>, vector<256x128xf32>
    tpu.vector_store %arg3[%swap3A_414, %swap3A_415], %add3A_413 {strides = array<i32>} : memref<256x8192xf32, #tpu.memory_space<vmem>>, vector<256x128xf32>,
    %slice3A_417 = vector.extract_strided_slice %dot_general3A_411 {offsets = [0, 128], sizes = [256, 128], strides = [1, 1]} : vector<256x256xf32> to vector<256x128xf32>
    %add3A_418 = arith.addf %add3A_406, %slice3A_417 : vector<256x128xf32>
    %get3A_419 = arith.constant 0 : index
    %get3A_420 = arith.constant 4480 : index
    %get3A_421 = vector.load %arg2[%get3A_419, %get3A_420] : memref<256x8192xf32, #tpu.memory_space<vmem>>, vector<256x128xf32>
    %dot_general3A_422 = arith.constant dense<0.000000e+00> : vector<256x256xf32>
    %dot_general3A_423 = tpu.matmul %get3A_421, %get3A_1, %dot_general3A_422 {dimension_numbers = #tpu.dot_dimension_numbers<[1], [0], [0], [1], [0, 0, 1, 1], [], []>, transpose_lhs_hint = false} : vector<256x128xf32>, vector<128x256xf32>, vector<256x256xf32> -> vector<256x256xf32>
    %slice3A_424 = vector.extract_strided_slice %dot_general3A_423 {offsets = [0, 0], sizes = [256, 128], strides = [1, 1]} : vector<256x256xf32> to vector<256x128xf32>
    %add3A_425 = arith.addf %slice3A_424, %add3A_418 : vector<256x128xf32>
    %swap3A_426 = arith.constant 0 : index
    %swap3A_427 = arith.constant 4480 : index
    %swap3A_428 = vector.load %arg3[%swap3A_426, %swap3A_427] : memref<256x8192xf32, #tpu.memory_space<vmem>>, vector<256x128xf32>
    tpu.vector_store %arg3[%swap3A_426, %swap3A_427], %add3A_425 {strides = array<i32>} : memref<256x8192xf32, #tpu.memory_space<vmem>>, vector<256x128xf32>,
    %slice3A_429 = vector.extract_strided_slice %dot_general3A_423 {offsets = [0, 128], sizes = [256, 128], strides = [1, 1]} : vector<256x256xf32> to vector<256x128xf32>
    %add3A_430 = arith.addf %add3A_418, %slice3A_429 : vector<256x128xf32>
    %get3A_431 = arith.constant 0 : index
    %get3A_432 = arith.constant 4608 : index
    %get3A_433 = vector.load %arg2[%get3A_431, %get3A_432] : memref<256x8192xf32, #tpu.memory_space<vmem>>, vector<256x128xf32>
    %dot_general3A_434 = arith.constant dense<0.000000e+00> : vector<256x256xf32>
    %dot_general3A_435 = tpu.matmul %get3A_433, %get3A_1, %dot_general3A_434 {dimension_numbers = #tpu.dot_dimension_numbers<[1], [0], [0], [1], [0, 0, 1, 1], [], []>, transpose_lhs_hint = false} : vector<256x128xf32>, vector<128x256xf32>, vector<256x256xf32> -> vector<256x256xf32>
    %slice3A_436 = vector.extract_strided_slice %dot_general3A_435 {offsets = [0, 0], sizes = [256, 128], strides = [1, 1]} : vector<256x256xf32> to vector<256x128xf32>
    %add3A_437 = arith.addf %slice3A_436, %add3A_430 : vector<256x128xf32>
    %swap3A_438 = arith.constant 0 : index
    %swap3A_439 = arith.constant 4608 : index
    %swap3A_440 = vector.load %arg3[%swap3A_438, %swap3A_439] : memref<256x8192xf32, #tpu.memory_space<vmem>>, vector<256x128xf32>
    tpu.vector_store %arg3[%swap3A_438, %swap3A_439], %add3A_437 {strides = array<i32>} : memref<256x8192xf32, #tpu.memory_space<vmem>>, vector<256x128xf32>,
    %slice3A_441 = vector.extract_strided_slice %dot_general3A_435 {offsets = [0, 128], sizes = [256, 128], strides = [1, 1]} : vector<256x256xf32> to vector<256x128xf32>
    %add3A_442 = arith.addf %add3A_430, %slice3A_441 : vector<256x128xf32>
    %get3A_443 = arith.constant 0 : index
    %get3A_444 = arith.constant 4736 : index
    %get3A_445 = vector.load %arg2[%get3A_443, %get3A_444] : memref<256x8192xf32, #tpu.memory_space<vmem>>, vector<256x128xf32>
    %dot_general3A_446 = arith.constant dense<0.000000e+00> : vector<256x256xf32>
    %dot_general3A_447 = tpu.matmul %get3A_445, %get3A_1, %dot_general3A_446 {dimension_numbers = #tpu.dot_dimension_numbers<[1], [0], [0], [1], [0, 0, 1, 1], [], []>, transpose_lhs_hint = false} : vector<256x128xf32>, vector<128x256xf32>, vector<256x256xf32> -> vector<256x256xf32>
    %slice3A_448 = vector.extract_strided_slice %dot_general3A_447 {offsets = [0, 0], sizes = [256, 128], strides = [1, 1]} : vector<256x256xf32> to vector<256x128xf32>
    %add3A_449 = arith.addf %slice3A_448, %add3A_442 : vector<256x128xf32>
    %swap3A_450 = arith.constant 0 : index
    %swap3A_451 = arith.constant 4736 : index
    %swap3A_452 = vector.load %arg3[%swap3A_450, %swap3A_451] : memref<256x8192xf32, #tpu.memory_space<vmem>>, vector<256x128xf32>
    tpu.vector_store %arg3[%swap3A_450, %swap3A_451], %add3A_449 {strides = array<i32>} : memref<256x8192xf32, #tpu.memory_space<vmem>>, vector<256x128xf32>,
    %slice3A_453 = vector.extract_strided_slice %dot_general3A_447 {offsets = [0, 128], sizes = [256, 128], strides = [1, 1]} : vector<256x256xf32> to vector<256x128xf32>
    %add3A_454 = arith.addf %add3A_442, %slice3A_453 : vector<256x128xf32>
    %get3A_455 = arith.constant 0 : index
    %get3A_456 = arith.constant 4864 : index
    %get3A_457 = vector.load %arg2[%get3A_455, %get3A_456] : memref<256x8192xf32, #tpu.memory_space<vmem>>, vector<256x128xf32>
    %dot_general3A_458 = arith.constant dense<0.000000e+00> : vector<256x256xf32>
    %dot_general3A_459 = tpu.matmul %get3A_457, %get3A_1, %dot_general3A_458 {dimension_numbers = #tpu.dot_dimension_numbers<[1], [0], [0], [1], [0, 0, 1, 1], [], []>, transpose_lhs_hint = false} : vector<256x128xf32>, vector<128x256xf32>, vector<256x256xf32> -> vector<256x256xf32>
    %slice3A_460 = vector.extract_strided_slice %dot_general3A_459 {offsets = [0, 0], sizes = [256, 128], strides = [1, 1]} : vector<256x256xf32> to vector<256x128xf32>
    %add3A_461 = arith.addf %slice3A_460, %add3A_454 : vector<256x128xf32>
    %swap3A_462 = arith.constant 0 : index
    %swap3A_463 = arith.constant 4864 : index
    %swap3A_464 = vector.load %arg3[%swap3A_462, %swap3A_463] : memref<256x8192xf32, #tpu.memory_space<vmem>>, vector<256x128xf32>
    tpu.vector_store %arg3[%swap3A_462, %swap3A_463], %add3A_461 {strides = array<i32>} : memref<256x8192xf32, #tpu.memory_space<vmem>>, vector<256x128xf32>,
    %slice3A_465 = vector.extract_strided_slice %dot_general3A_459 {offsets = [0, 128], sizes = [256, 128], strides = [1, 1]} : vector<256x256xf32> to vector<256x128xf32>
    %add3A_466 = arith.addf %add3A_454, %slice3A_465 : vector<256x128xf32>
    %get3A_467 = arith.constant 0 : index
    %get3A_468 = arith.constant 4992 : index
    %get3A_469 = vector.load %arg2[%get3A_467, %get3A_468] : memref<256x8192xf32, #tpu.memory_space<vmem>>, vector<256x128xf32>
    %dot_general3A_470 = arith.constant dense<0.000000e+00> : vector<256x256xf32>
    %dot_general3A_471 = tpu.matmul %get3A_469, %get3A_1, %dot_general3A_470 {dimension_numbers = #tpu.dot_dimension_numbers<[1], [0], [0], [1], [0, 0, 1, 1], [], []>, transpose_lhs_hint = false} : vector<256x128xf32>, vector<128x256xf32>, vector<256x256xf32> -> vector<256x256xf32>
    %slice3A_472 = vector.extract_strided_slice %dot_general3A_471 {offsets = [0, 0], sizes = [256, 128], strides = [1, 1]} : vector<256x256xf32> to vector<256x128xf32>
    %add3A_473 = arith.addf %slice3A_472, %add3A_466 : vector<256x128xf32>
    %swap3A_474 = arith.constant 0 : index
    %swap3A_475 = arith.constant 4992 : index
    %swap3A_476 = vector.load %arg3[%swap3A_474, %swap3A_475] : memref<256x8192xf32, #tpu.memory_space<vmem>>, vector<256x128xf32>
    tpu.vector_store %arg3[%swap3A_474, %swap3A_475], %add3A_473 {strides = array<i32>} : memref<256x8192xf32, #tpu.memory_space<vmem>>, vector<256x128xf32>,
    %slice3A_477 = vector.extract_strided_slice %dot_general3A_471 {offsets = [0, 128], sizes = [256, 128], strides = [1, 1]} : vector<256x256xf32> to vector<256x128xf32>
    %add3A_478 = arith.addf %add3A_466, %slice3A_477 : vector<256x128xf32>
    %get3A_479 = arith.constant 0 : index
    %get3A_480 = arith.constant 5120 : index
    %get3A_481 = vector.load %arg2[%get3A_479, %get3A_480] : memref<256x8192xf32, #tpu.memory_space<vmem>>, vector<256x128xf32>
    %dot_general3A_482 = arith.constant dense<0.000000e+00> : vector<256x256xf32>
    %dot_general3A_483 = tpu.matmul %get3A_481, %get3A_1, %dot_general3A_482 {dimension_numbers = #tpu.dot_dimension_numbers<[1], [0], [0], [1], [0, 0, 1, 1], [], []>, transpose_lhs_hint = false} : vector<256x128xf32>, vector<128x256xf32>, vector<256x256xf32> -> vector<256x256xf32>
    %slice3A_484 = vector.extract_strided_slice %dot_general3A_483 {offsets = [0, 0], sizes = [256, 128], strides = [1, 1]} : vector<256x256xf32> to vector<256x128xf32>
    %add3A_485 = arith.addf %slice3A_484, %add3A_478 : vector<256x128xf32>
    %swap3A_486 = arith.constant 0 : index
    %swap3A_487 = arith.constant 5120 : index
    %swap3A_488 = vector.load %arg3[%swap3A_486, %swap3A_487] : memref<256x8192xf32, #tpu.memory_space<vmem>>, vector<256x128xf32>
    tpu.vector_store %arg3[%swap3A_486, %swap3A_487], %add3A_485 {strides = array<i32>} : memref<256x8192xf32, #tpu.memory_space<vmem>>, vector<256x128xf32>,
    %slice3A_489 = vector.extract_strided_slice %dot_general3A_483 {offsets = [0, 128], sizes = [256, 128], strides = [1, 1]} : vector<256x256xf32> to vector<256x128xf32>
    %add3A_490 = arith.addf %add3A_478, %slice3A_489 : vector<256x128xf32>
    %get3A_491 = arith.constant 0 : index
    %get3A_492 = arith.constant 5248 : index
    %get3A_493 = vector.load %arg2[%get3A_491, %get3A_492] : memref<256x8192xf32, #tpu.memory_space<vmem>>, vector<256x128xf32>
    %dot_general3A_494 = arith.constant dense<0.000000e+00> : vector<256x256xf32>
    %dot_general3A_495 = tpu.matmul %get3A_493, %get3A_1, %dot_general3A_494 {dimension_numbers = #tpu.dot_dimension_numbers<[1], [0], [0], [1], [0, 0, 1, 1], [], []>, transpose_lhs_hint = false} : vector<256x128xf32>, vector<128x256xf32>, vector<256x256xf32> -> vector<256x256xf32>
    %slice3A_496 = vector.extract_strided_slice %dot_general3A_495 {offsets = [0, 0], sizes = [256, 128], strides = [1, 1]} : vector<256x256xf32> to vector<256x128xf32>
    %add3A_497 = arith.addf %slice3A_496, %add3A_490 : vector<256x128xf32>
    %swap3A_498 = arith.constant 0 : index
    %swap3A_499 = arith.constant 5248 : index
    %swap3A_500 = vector.load %arg3[%swap3A_498, %swap3A_499] : memref<256x8192xf32, #tpu.memory_space<vmem>>, vector<256x128xf32>
    tpu.vector_store %arg3[%swap3A_498, %swap3A_499], %add3A_497 {strides = array<i32>} : memref<256x8192xf32, #tpu.memory_space<vmem>>, vector<256x128xf32>,
    %slice3A_501 = vector.extract_strided_slice %dot_general3A_495 {offsets = [0, 128], sizes = [256, 128], strides = [1, 1]} : vector<256x256xf32> to vector<256x128xf32>
    %add3A_502 = arith.addf %add3A_490, %slice3A_501 : vector<256x128xf32>
    %get3A_503 = arith.constant 0 : index
    %get3A_504 = arith.constant 5376 : index
    %get3A_505 = vector.load %arg2[%get3A_503, %get3A_504] : memref<256x8192xf32, #tpu.memory_space<vmem>>, vector<256x128xf32>
    %dot_general3A_506 = arith.constant dense<0.000000e+00> : vector<256x256xf32>
    %dot_general3A_507 = tpu.matmul %get3A_505, %get3A_1, %dot_general3A_506 {dimension_numbers = #tpu.dot_dimension_numbers<[1], [0], [0], [1], [0, 0, 1, 1], [], []>, transpose_lhs_hint = false} : vector<256x128xf32>, vector<128x256xf32>, vector<256x256xf32> -> vector<256x256xf32>
    %slice3A_508 = vector.extract_strided_slice %dot_general3A_507 {offsets = [0, 0], sizes = [256, 128], strides = [1, 1]} : vector<256x256xf32> to vector<256x128xf32>
    %add3A_509 = arith.addf %slice3A_508, %add3A_502 : vector<256x128xf32>
    %swap3A_510 = arith.constant 0 : index
    %swap3A_511 = arith.constant 5376 : index
    %swap3A_512 = vector.load %arg3[%swap3A_510, %swap3A_511] : memref<256x8192xf32, #tpu.memory_space<vmem>>, vector<256x128xf32>
    tpu.vector_store %arg3[%swap3A_510, %swap3A_511], %add3A_509 {strides = array<i32>} : memref<256x8192xf32, #tpu.memory_space<vmem>>, vector<256x128xf32>,
    %slice3A_513 = vector.extract_strided_slice %dot_general3A_507 {offsets = [0, 128], sizes = [256, 128], strides = [1, 1]} : vector<256x256xf32> to vector<256x128xf32>
    %add3A_514 = arith.addf %add3A_502, %slice3A_513 : vector<256x128xf32>
    %get3A_515 = arith.constant 0 : index
    %get3A_516 = arith.constant 5504 : index
    %get3A_517 = vector.load %arg2[%get3A_515, %get3A_516] : memref<256x8192xf32, #tpu.memory_space<vmem>>, vector<256x128xf32>
    %dot_general3A_518 = arith.constant dense<0.000000e+00> : vector<256x256xf32>
    %dot_general3A_519 = tpu.matmul %get3A_517, %get3A_1, %dot_general3A_518 {dimension_numbers = #tpu.dot_dimension_numbers<[1], [0], [0], [1], [0, 0, 1, 1], [], []>, transpose_lhs_hint = false} : vector<256x128xf32>, vector<128x256xf32>, vector<256x256xf32> -> vector<256x256xf32>
    %slice3A_520 = vector.extract_strided_slice %dot_general3A_519 {offsets = [0, 0], sizes = [256, 128], strides = [1, 1]} : vector<256x256xf32> to vector<256x128xf32>
    %add3A_521 = arith.addf %slice3A_520, %add3A_514 : vector<256x128xf32>
    %swap3A_522 = arith.constant 0 : index
    %swap3A_523 = arith.constant 5504 : index
    %swap3A_524 = vector.load %arg3[%swap3A_522, %swap3A_523] : memref<256x8192xf32, #tpu.memory_space<vmem>>, vector<256x128xf32>
    tpu.vector_store %arg3[%swap3A_522, %swap3A_523], %add3A_521 {strides = array<i32>} : memref<256x8192xf32, #tpu.memory_space<vmem>>, vector<256x128xf32>,
    %slice3A_525 = vector.extract_strided_slice %dot_general3A_519 {offsets = [0, 128], sizes = [256, 128], strides = [1, 1]} : vector<256x256xf32> to vector<256x128xf32>
    %add3A_526 = arith.addf %add3A_514, %slice3A_525 : vector<256x128xf32>
    %get3A_527 = arith.constant 0 : index
    %get3A_528 = arith.constant 5632 : index
    %get3A_529 = vector.load %arg2[%get3A_527, %get3A_528] : memref<256x8192xf32, #tpu.memory_space<vmem>>, vector<256x128xf32>
    %dot_general3A_530 = arith.constant dense<0.000000e+00> : vector<256x256xf32>
    %dot_general3A_531 = tpu.matmul %get3A_529, %get3A_1, %dot_general3A_530 {dimension_numbers = #tpu.dot_dimension_numbers<[1], [0], [0], [1], [0, 0, 1, 1], [], []>, transpose_lhs_hint = false} : vector<256x128xf32>, vector<128x256xf32>, vector<256x256xf32> -> vector<256x256xf32>
    %slice3A_532 = vector.extract_strided_slice %dot_general3A_531 {offsets = [0, 0], sizes = [256, 128], strides = [1, 1]} : vector<256x256xf32> to vector<256x128xf32>
    %add3A_533 = arith.addf %slice3A_532, %add3A_526 : vector<256x128xf32>
    %swap3A_534 = arith.constant 0 : index
    %swap3A_535 = arith.constant 5632 : index
    %swap3A_536 = vector.load %arg3[%swap3A_534, %swap3A_535] : memref<256x8192xf32, #tpu.memory_space<vmem>>, vector<256x128xf32>
    tpu.vector_store %arg3[%swap3A_534, %swap3A_535], %add3A_533 {strides = array<i32>} : memref<256x8192xf32, #tpu.memory_space<vmem>>, vector<256x128xf32>,
    %slice3A_537 = vector.extract_strided_slice %dot_general3A_531 {offsets = [0, 128], sizes = [256, 128], strides = [1, 1]} : vector<256x256xf32> to vector<256x128xf32>
    %add3A_538 = arith.addf %add3A_526, %slice3A_537 : vector<256x128xf32>
    %get3A_539 = arith.constant 0 : index
    %get3A_540 = arith.constant 5760 : index
    %get3A_541 = vector.load %arg2[%get3A_539, %get3A_540] : memref<256x8192xf32, #tpu.memory_space<vmem>>, vector<256x128xf32>
    %dot_general3A_542 = arith.constant dense<0.000000e+00> : vector<256x256xf32>
    %dot_general3A_543 = tpu.matmul %get3A_541, %get3A_1, %dot_general3A_542 {dimension_numbers = #tpu.dot_dimension_numbers<[1], [0], [0], [1], [0, 0, 1, 1], [], []>, transpose_lhs_hint = false} : vector<256x128xf32>, vector<128x256xf32>, vector<256x256xf32> -> vector<256x256xf32>
    %slice3A_544 = vector.extract_strided_slice %dot_general3A_543 {offsets = [0, 0], sizes = [256, 128], strides = [1, 1]} : vector<256x256xf32> to vector<256x128xf32>
    %add3A_545 = arith.addf %slice3A_544, %add3A_538 : vector<256x128xf32>
    %swap3A_546 = arith.constant 0 : index
    %swap3A_547 = arith.constant 5760 : index
    %swap3A_548 = vector.load %arg3[%swap3A_546, %swap3A_547] : memref<256x8192xf32, #tpu.memory_space<vmem>>, vector<256x128xf32>
    tpu.vector_store %arg3[%swap3A_546, %swap3A_547], %add3A_545 {strides = array<i32>} : memref<256x8192xf32, #tpu.memory_space<vmem>>, vector<256x128xf32>,
    %slice3A_549 = vector.extract_strided_slice %dot_general3A_543 {offsets = [0, 128], sizes = [256, 128], strides = [1, 1]} : vector<256x256xf32> to vector<256x128xf32>
    %add3A_550 = arith.addf %add3A_538, %slice3A_549 : vector<256x128xf32>
    %get3A_551 = arith.constant 0 : index
    %get3A_552 = arith.constant 5888 : index
    %get3A_553 = vector.load %arg2[%get3A_551, %get3A_552] : memref<256x8192xf32, #tpu.memory_space<vmem>>, vector<256x128xf32>
    %dot_general3A_554 = arith.constant dense<0.000000e+00> : vector<256x256xf32>
    %dot_general3A_555 = tpu.matmul %get3A_553, %get3A_1, %dot_general3A_554 {dimension_numbers = #tpu.dot_dimension_numbers<[1], [0], [0], [1], [0, 0, 1, 1], [], []>, transpose_lhs_hint = false} : vector<256x128xf32>, vector<128x256xf32>, vector<256x256xf32> -> vector<256x256xf32>
    %slice3A_556 = vector.extract_strided_slice %dot_general3A_555 {offsets = [0, 0], sizes = [256, 128], strides = [1, 1]} : vector<256x256xf32> to vector<256x128xf32>
    %add3A_557 = arith.addf %slice3A_556, %add3A_550 : vector<256x128xf32>
    %swap3A_558 = arith.constant 0 : index
    %swap3A_559 = arith.constant 5888 : index
    %swap3A_560 = vector.load %arg3[%swap3A_558, %swap3A_559] : memref<256x8192xf32, #tpu.memory_space<vmem>>, vector<256x128xf32>
    tpu.vector_store %arg3[%swap3A_558, %swap3A_559], %add3A_557 {strides = array<i32>} : memref<256x8192xf32, #tpu.memory_space<vmem>>, vector<256x128xf32>,
    %slice3A_561 = vector.extract_strided_slice %dot_general3A_555 {offsets = [0, 128], sizes = [256, 128], strides = [1, 1]} : vector<256x256xf32> to vector<256x128xf32>
    %add3A_562 = arith.addf %add3A_550, %slice3A_561 : vector<256x128xf32>
    %get3A_563 = arith.constant 0 : index
    %get3A_564 = arith.constant 6016 : index
    %get3A_565 = vector.load %arg2[%get3A_563, %get3A_564] : memref<256x8192xf32, #tpu.memory_space<vmem>>, vector<256x128xf32>
    %dot_general3A_566 = arith.constant dense<0.000000e+00> : vector<256x256xf32>
    %dot_general3A_567 = tpu.matmul %get3A_565, %get3A_1, %dot_general3A_566 {dimension_numbers = #tpu.dot_dimension_numbers<[1], [0], [0], [1], [0, 0, 1, 1], [], []>, transpose_lhs_hint = false} : vector<256x128xf32>, vector<128x256xf32>, vector<256x256xf32> -> vector<256x256xf32>
    %slice3A_568 = vector.extract_strided_slice %dot_general3A_567 {offsets = [0, 0], sizes = [256, 128], strides = [1, 1]} : vector<256x256xf32> to vector<256x128xf32>
    %add3A_569 = arith.addf %slice3A_568, %add3A_562 : vector<256x128xf32>
    %swap3A_570 = arith.constant 0 : index
    %swap3A_571 = arith.constant 6016 : index
    %swap3A_572 = vector.load %arg3[%swap3A_570, %swap3A_571] : memref<256x8192xf32, #tpu.memory_space<vmem>>, vector<256x128xf32>
    tpu.vector_store %arg3[%swap3A_570, %swap3A_571], %add3A_569 {strides = array<i32>} : memref<256x8192xf32, #tpu.memory_space<vmem>>, vector<256x128xf32>,
    %slice3A_573 = vector.extract_strided_slice %dot_general3A_567 {offsets = [0, 128], sizes = [256, 128], strides = [1, 1]} : vector<256x256xf32> to vector<256x128xf32>
    %add3A_574 = arith.addf %add3A_562, %slice3A_573 : vector<256x128xf32>
    %get3A_575 = arith.constant 0 : index
    %get3A_576 = arith.constant 6144 : index
    %get3A_577 = vector.load %arg2[%get3A_575, %get3A_576] : memref<256x8192xf32, #tpu.memory_space<vmem>>, vector<256x128xf32>
    %dot_general3A_578 = arith.constant dense<0.000000e+00> : vector<256x256xf32>
    %dot_general3A_579 = tpu.matmul %get3A_577, %get3A_1, %dot_general3A_578 {dimension_numbers = #tpu.dot_dimension_numbers<[1], [0], [0], [1], [0, 0, 1, 1], [], []>, transpose_lhs_hint = false} : vector<256x128xf32>, vector<128x256xf32>, vector<256x256xf32> -> vector<256x256xf32>
    %slice3A_580 = vector.extract_strided_slice %dot_general3A_579 {offsets = [0, 0], sizes = [256, 128], strides = [1, 1]} : vector<256x256xf32> to vector<256x128xf32>
    %add3A_581 = arith.addf %slice3A_580, %add3A_574 : vector<256x128xf32>
    %swap3A_582 = arith.constant 0 : index
    %swap3A_583 = arith.constant 6144 : index
    %swap3A_584 = vector.load %arg3[%swap3A_582, %swap3A_583] : memref<256x8192xf32, #tpu.memory_space<vmem>>, vector<256x128xf32>
    tpu.vector_store %arg3[%swap3A_582, %swap3A_583], %add3A_581 {strides = array<i32>} : memref<256x8192xf32, #tpu.memory_space<vmem>>, vector<256x128xf32>,
    %slice3A_585 = vector.extract_strided_slice %dot_general3A_579 {offsets = [0, 128], sizes = [256, 128], strides = [1, 1]} : vector<256x256xf32> to vector<256x128xf32>
    %add3A_586 = arith.addf %add3A_574, %slice3A_585 : vector<256x128xf32>
    %get3A_587 = arith.constant 0 : index
    %get3A_588 = arith.constant 6272 : index
    %get3A_589 = vector.load %arg2[%get3A_587, %get3A_588] : memref<256x8192xf32, #tpu.memory_space<vmem>>, vector<256x128xf32>
    %dot_general3A_590 = arith.constant dense<0.000000e+00> : vector<256x256xf32>
    %dot_general3A_591 = tpu.matmul %get3A_589, %get3A_1, %dot_general3A_590 {dimension_numbers = #tpu.dot_dimension_numbers<[1], [0], [0], [1], [0, 0, 1, 1], [], []>, transpose_lhs_hint = false} : vector<256x128xf32>, vector<128x256xf32>, vector<256x256xf32> -> vector<256x256xf32>
    %slice3A_592 = vector.extract_strided_slice %dot_general3A_591 {offsets = [0, 0], sizes = [256, 128], strides = [1, 1]} : vector<256x256xf32> to vector<256x128xf32>
    %add3A_593 = arith.addf %slice3A_592, %add3A_586 : vector<256x128xf32>
    %swap3A_594 = arith.constant 0 : index
    %swap3A_595 = arith.constant 6272 : index
    %swap3A_596 = vector.load %arg3[%swap3A_594, %swap3A_595] : memref<256x8192xf32, #tpu.memory_space<vmem>>, vector<256x128xf32>
    tpu.vector_store %arg3[%swap3A_594, %swap3A_595], %add3A_593 {strides = array<i32>} : memref<256x8192xf32, #tpu.memory_space<vmem>>, vector<256x128xf32>,
    %slice3A_597 = vector.extract_strided_slice %dot_general3A_591 {offsets = [0, 128], sizes = [256, 128], strides = [1, 1]} : vector<256x256xf32> to vector<256x128xf32>
    %add3A_598 = arith.addf %add3A_586, %slice3A_597 : vector<256x128xf32>
    %get3A_599 = arith.constant 0 : index
    %get3A_600 = arith.constant 6400 : index
    %get3A_601 = vector.load %arg2[%get3A_599, %get3A_600] : memref<256x8192xf32, #tpu.memory_space<vmem>>, vector<256x128xf32>
    %dot_general3A_602 = arith.constant dense<0.000000e+00> : vector<256x256xf32>
    %dot_general3A_603 = tpu.matmul %get3A_601, %get3A_1, %dot_general3A_602 {dimension_numbers = #tpu.dot_dimension_numbers<[1], [0], [0], [1], [0, 0, 1, 1], [], []>, transpose_lhs_hint = false} : vector<256x128xf32>, vector<128x256xf32>, vector<256x256xf32> -> vector<256x256xf32>
    %slice3A_604 = vector.extract_strided_slice %dot_general3A_603 {offsets = [0, 0], sizes = [256, 128], strides = [1, 1]} : vector<256x256xf32> to vector<256x128xf32>
    %add3A_605 = arith.addf %slice3A_604, %add3A_598 : vector<256x128xf32>
    %swap3A_606 = arith.constant 0 : index
    %swap3A_607 = arith.constant 6400 : index
    %swap3A_608 = vector.load %arg3[%swap3A_606, %swap3A_607] : memref<256x8192xf32, #tpu.memory_space<vmem>>, vector<256x128xf32>
    tpu.vector_store %arg3[%swap3A_606, %swap3A_607], %add3A_605 {strides = array<i32>} : memref<256x8192xf32, #tpu.memory_space<vmem>>, vector<256x128xf32>,
    %slice3A_609 = vector.extract_strided_slice %dot_general3A_603 {offsets = [0, 128], sizes = [256, 128], strides = [1, 1]} : vector<256x256xf32> to vector<256x128xf32>
    %add3A_610 = arith.addf %add3A_598, %slice3A_609 : vector<256x128xf32>
    %get3A_611 = arith.constant 0 : index
    %get3A_612 = arith.constant 6528 : index
    %get3A_613 = vector.load %arg2[%get3A_611, %get3A_612] : memref<256x8192xf32, #tpu.memory_space<vmem>>, vector<256x128xf32>
    %dot_general3A_614 = arith.constant dense<0.000000e+00> : vector<256x256xf32>
    %dot_general3A_615 = tpu.matmul %get3A_613, %get3A_1, %dot_general3A_614 {dimension_numbers = #tpu.dot_dimension_numbers<[1], [0], [0], [1], [0, 0, 1, 1], [], []>, transpose_lhs_hint = false} : vector<256x128xf32>, vector<128x256xf32>, vector<256x256xf32> -> vector<256x256xf32>
    %slice3A_616 = vector.extract_strided_slice %dot_general3A_615 {offsets = [0, 0], sizes = [256, 128], strides = [1, 1]} : vector<256x256xf32> to vector<256x128xf32>
    %add3A_617 = arith.addf %slice3A_616, %add3A_610 : vector<256x128xf32>
    %swap3A_618 = arith.constant 0 : index
    %swap3A_619 = arith.constant 6528 : index
    %swap3A_620 = vector.load %arg3[%swap3A_618, %swap3A_619] : memref<256x8192xf32, #tpu.memory_space<vmem>>, vector<256x128xf32>
    tpu.vector_store %arg3[%swap3A_618, %swap3A_619], %add3A_617 {strides = array<i32>} : memref<256x8192xf32, #tpu.memory_space<vmem>>, vector<256x128xf32>,
    %slice3A_621 = vector.extract_strided_slice %dot_general3A_615 {offsets = [0, 128], sizes = [256, 128], strides = [1, 1]} : vector<256x256xf32> to vector<256x128xf32>
    %add3A_622 = arith.addf %add3A_610, %slice3A_621 : vector<256x128xf32>
    %get3A_623 = arith.constant 0 : index
    %get3A_624 = arith.constant 6656 : index
    %get3A_625 = vector.load %arg2[%get3A_623, %get3A_624] : memref<256x8192xf32, #tpu.memory_space<vmem>>, vector<256x128xf32>
    %dot_general3A_626 = arith.constant dense<0.000000e+00> : vector<256x256xf32>
    %dot_general3A_627 = tpu.matmul %get3A_625, %get3A_1, %dot_general3A_626 {dimension_numbers = #tpu.dot_dimension_numbers<[1], [0], [0], [1], [0, 0, 1, 1], [], []>, transpose_lhs_hint = false} : vector<256x128xf32>, vector<128x256xf32>, vector<256x256xf32> -> vector<256x256xf32>
    %slice3A_628 = vector.extract_strided_slice %dot_general3A_627 {offsets = [0, 0], sizes = [256, 128], strides = [1, 1]} : vector<256x256xf32> to vector<256x128xf32>
    %add3A_629 = arith.addf %slice3A_628, %add3A_622 : vector<256x128xf32>
    %swap3A_630 = arith.constant 0 : index
    %swap3A_631 = arith.constant 6656 : index
    %swap3A_632 = vector.load %arg3[%swap3A_630, %swap3A_631] : memref<256x8192xf32, #tpu.memory_space<vmem>>, vector<256x128xf32>
    tpu.vector_store %arg3[%swap3A_630, %swap3A_631], %add3A_629 {strides = array<i32>} : memref<256x8192xf32, #tpu.memory_space<vmem>>, vector<256x128xf32>,
    %slice3A_633 = vector.extract_strided_slice %dot_general3A_627 {offsets = [0, 128], sizes = [256, 128], strides = [1, 1]} : vector<256x256xf32> to vector<256x128xf32>
    %add3A_634 = arith.addf %add3A_622, %slice3A_633 : vector<256x128xf32>
    %get3A_635 = arith.constant 0 : index
    %get3A_636 = arith.constant 6784 : index
    %get3A_637 = vector.load %arg2[%get3A_635, %get3A_636] : memref<256x8192xf32, #tpu.memory_space<vmem>>, vector<256x128xf32>
    %dot_general3A_638 = arith.constant dense<0.000000e+00> : vector<256x256xf32>
    %dot_general3A_639 = tpu.matmul %get3A_637, %get3A_1, %dot_general3A_638 {dimension_numbers = #tpu.dot_dimension_numbers<[1], [0], [0], [1], [0, 0, 1, 1], [], []>, transpose_lhs_hint = false} : vector<256x128xf32>, vector<128x256xf32>, vector<256x256xf32> -> vector<256x256xf32>
    %slice3A_640 = vector.extract_strided_slice %dot_general3A_639 {offsets = [0, 0], sizes = [256, 128], strides = [1, 1]} : vector<256x256xf32> to vector<256x128xf32>
    %add3A_641 = arith.addf %slice3A_640, %add3A_634 : vector<256x128xf32>
    %swap3A_642 = arith.constant 0 : index
    %swap3A_643 = arith.constant 6784 : index
    %swap3A_644 = vector.load %arg3[%swap3A_642, %swap3A_643] : memref<256x8192xf32, #tpu.memory_space<vmem>>, vector<256x128xf32>
    tpu.vector_store %arg3[%swap3A_642, %swap3A_643], %add3A_641 {strides = array<i32>} : memref<256x8192xf32, #tpu.memory_space<vmem>>, vector<256x128xf32>,
    %slice3A_645 = vector.extract_strided_slice %dot_general3A_639 {offsets = [0, 128], sizes = [256, 128], strides = [1, 1]} : vector<256x256xf32> to vector<256x128xf32>
    %add3A_646 = arith.addf %add3A_634, %slice3A_645 : vector<256x128xf32>
    %get3A_647 = arith.constant 0 : index
    %get3A_648 = arith.constant 6912 : index
    %get3A_649 = vector.load %arg2[%get3A_647, %get3A_648] : memref<256x8192xf32, #tpu.memory_space<vmem>>, vector<256x128xf32>
    %dot_general3A_650 = arith.constant dense<0.000000e+00> : vector<256x256xf32>
    %dot_general3A_651 = tpu.matmul %get3A_649, %get3A_1, %dot_general3A_650 {dimension_numbers = #tpu.dot_dimension_numbers<[1], [0], [0], [1], [0, 0, 1, 1], [], []>, transpose_lhs_hint = false} : vector<256x128xf32>, vector<128x256xf32>, vector<256x256xf32> -> vector<256x256xf32>
    %slice3A_652 = vector.extract_strided_slice %dot_general3A_651 {offsets = [0, 0], sizes = [256, 128], strides = [1, 1]} : vector<256x256xf32> to vector<256x128xf32>
    %add3A_653 = arith.addf %slice3A_652, %add3A_646 : vector<256x128xf32>
    %swap3A_654 = arith.constant 0 : index
    %swap3A_655 = arith.constant 6912 : index
    %swap3A_656 = vector.load %arg3[%swap3A_654, %swap3A_655] : memref<256x8192xf32, #tpu.memory_space<vmem>>, vector<256x128xf32>
    tpu.vector_store %arg3[%swap3A_654, %swap3A_655], %add3A_653 {strides = array<i32>} : memref<256x8192xf32, #tpu.memory_space<vmem>>, vector<256x128xf32>,
    %slice3A_657 = vector.extract_strided_slice %dot_general3A_651 {offsets = [0, 128], sizes = [256, 128], strides = [1, 1]} : vector<256x256xf32> to vector<256x128xf32>
    %add3A_658 = arith.addf %add3A_646, %slice3A_657 : vector<256x128xf32>
    %get3A_659 = arith.constant 0 : index
    %get3A_660 = arith.constant 7040 : index
    %get3A_661 = vector.load %arg2[%get3A_659, %get3A_660] : memref<256x8192xf32, #tpu.memory_space<vmem>>, vector<256x128xf32>
    %dot_general3A_662 = arith.constant dense<0.000000e+00> : vector<256x256xf32>
    %dot_general3A_663 = tpu.matmul %get3A_661, %get3A_1, %dot_general3A_662 {dimension_numbers = #tpu.dot_dimension_numbers<[1], [0], [0], [1], [0, 0, 1, 1], [], []>, transpose_lhs_hint = false} : vector<256x128xf32>, vector<128x256xf32>, vector<256x256xf32> -> vector<256x256xf32>
    %slice3A_664 = vector.extract_strided_slice %dot_general3A_663 {offsets = [0, 0], sizes = [256, 128], strides = [1, 1]} : vector<256x256xf32> to vector<256x128xf32>
    %add3A_665 = arith.addf %slice3A_664, %add3A_658 : vector<256x128xf32>
    %swap3A_666 = arith.constant 0 : index
    %swap3A_667 = arith.constant 7040 : index
    %swap3A_668 = vector.load %arg3[%swap3A_666, %swap3A_667] : memref<256x8192xf32, #tpu.memory_space<vmem>>, vector<256x128xf32>
    tpu.vector_store %arg3[%swap3A_666, %swap3A_667], %add3A_665 {strides = array<i32>} : memref<256x8192xf32, #tpu.memory_space<vmem>>, vector<256x128xf32>,
    %slice3A_669 = vector.extract_strided_slice %dot_general3A_663 {offsets = [0, 128], sizes = [256, 128], strides = [1, 1]} : vector<256x256xf32> to vector<256x128xf32>
    %add3A_670 = arith.addf %add3A_658, %slice3A_669 : vector<256x128xf32>
    %get3A_671 = arith.constant 0 : index
    %get3A_672 = arith.constant 7168 : index
    %get3A_673 = vector.load %arg2[%get3A_671, %get3A_672] : memref<256x8192xf32, #tpu.memory_space<vmem>>, vector<256x128xf32>
    %dot_general3A_674 = arith.constant dense<0.000000e+00> : vector<256x256xf32>
    %dot_general3A_675 = tpu.matmul %get3A_673, %get3A_1, %dot_general3A_674 {dimension_numbers = #tpu.dot_dimension_numbers<[1], [0], [0], [1], [0, 0, 1, 1], [], []>, transpose_lhs_hint = false} : vector<256x128xf32>, vector<128x256xf32>, vector<256x256xf32> -> vector<256x256xf32>
    %slice3A_676 = vector.extract_strided_slice %dot_general3A_675 {offsets = [0, 0], sizes = [256, 128], strides = [1, 1]} : vector<256x256xf32> to vector<256x128xf32>
    %add3A_677 = arith.addf %slice3A_676, %add3A_670 : vector<256x128xf32>
    %swap3A_678 = arith.constant 0 : index
    %swap3A_679 = arith.constant 7168 : index
    %swap3A_680 = vector.load %arg3[%swap3A_678, %swap3A_679] : memref<256x8192xf32, #tpu.memory_space<vmem>>, vector<256x128xf32>
    tpu.vector_store %arg3[%swap3A_678, %swap3A_679], %add3A_677 {strides = array<i32>} : memref<256x8192xf32, #tpu.memory_space<vmem>>, vector<256x128xf32>,
    %slice3A_681 = vector.extract_strided_slice %dot_general3A_675 {offsets = [0, 128], sizes = [256, 128], strides = [1, 1]} : vector<256x256xf32> to vector<256x128xf32>
    %add3A_682 = arith.addf %add3A_670, %slice3A_681 : vector<256x128xf32>
    %get3A_683 = arith.constant 0 : index
    %get3A_684 = arith.constant 7296 : index
    %get3A_685 = vector.load %arg2[%get3A_683, %get3A_684] : memref<256x8192xf32, #tpu.memory_space<vmem>>, vector<256x128xf32>
    %dot_general3A_686 = arith.constant dense<0.000000e+00> : vector<256x256xf32>
    %dot_general3A_687 = tpu.matmul %get3A_685, %get3A_1, %dot_general3A_686 {dimension_numbers = #tpu.dot_dimension_numbers<[1], [0], [0], [1], [0, 0, 1, 1], [], []>, transpose_lhs_hint = false} : vector<256x128xf32>, vector<128x256xf32>, vector<256x256xf32> -> vector<256x256xf32>
    %slice3A_688 = vector.extract_strided_slice %dot_general3A_687 {offsets = [0, 0], sizes = [256, 128], strides = [1, 1]} : vector<256x256xf32> to vector<256x128xf32>
    %add3A_689 = arith.addf %slice3A_688, %add3A_682 : vector<256x128xf32>
    %swap3A_690 = arith.constant 0 : index
    %swap3A_691 = arith.constant 7296 : index
    %swap3A_692 = vector.load %arg3[%swap3A_690, %swap3A_691] : memref<256x8192xf32, #tpu.memory_space<vmem>>, vector<256x128xf32>
    tpu.vector_store %arg3[%swap3A_690, %swap3A_691], %add3A_689 {strides = array<i32>} : memref<256x8192xf32, #tpu.memory_space<vmem>>, vector<256x128xf32>,
    %slice3A_693 = vector.extract_strided_slice %dot_general3A_687 {offsets = [0, 128], sizes = [256, 128], strides = [1, 1]} : vector<256x256xf32> to vector<256x128xf32>
    %add3A_694 = arith.addf %add3A_682, %slice3A_693 : vector<256x128xf32>
    %get3A_695 = arith.constant 0 : index
    %get3A_696 = arith.constant 7424 : index
    %get3A_697 = vector.load %arg2[%get3A_695, %get3A_696] : memref<256x8192xf32, #tpu.memory_space<vmem>>, vector<256x128xf32>
    %dot_general3A_698 = arith.constant dense<0.000000e+00> : vector<256x256xf32>
    %dot_general3A_699 = tpu.matmul %get3A_697, %get3A_1, %dot_general3A_698 {dimension_numbers = #tpu.dot_dimension_numbers<[1], [0], [0], [1], [0, 0, 1, 1], [], []>, transpose_lhs_hint = false} : vector<256x128xf32>, vector<128x256xf32>, vector<256x256xf32> -> vector<256x256xf32>
    %slice3A_700 = vector.extract_strided_slice %dot_general3A_699 {offsets = [0, 0], sizes = [256, 128], strides = [1, 1]} : vector<256x256xf32> to vector<256x128xf32>
    %add3A_701 = arith.addf %slice3A_700, %add3A_694 : vector<256x128xf32>
    %swap3A_702 = arith.constant 0 : index
    %swap3A_703 = arith.constant 7424 : index
    %swap3A_704 = vector.load %arg3[%swap3A_702, %swap3A_703] : memref<256x8192xf32, #tpu.memory_space<vmem>>, vector<256x128xf32>
    tpu.vector_store %arg3[%swap3A_702, %swap3A_703], %add3A_701 {strides = array<i32>} : memref<256x8192xf32, #tpu.memory_space<vmem>>, vector<256x128xf32>,
    %slice3A_705 = vector.extract_strided_slice %dot_general3A_699 {offsets = [0, 128], sizes = [256, 128], strides = [1, 1]} : vector<256x256xf32> to vector<256x128xf32>
    %add3A_706 = arith.addf %add3A_694, %slice3A_705 : vector<256x128xf32>
    %get3A_707 = arith.constant 0 : index
    %get3A_708 = arith.constant 7552 : index
    %get3A_709 = vector.load %arg2[%get3A_707, %get3A_708] : memref<256x8192xf32, #tpu.memory_space<vmem>>, vector<256x128xf32>
    %dot_general3A_710 = arith.constant dense<0.000000e+00> : vector<256x256xf32>
    %dot_general3A_711 = tpu.matmul %get3A_709, %get3A_1, %dot_general3A_710 {dimension_numbers = #tpu.dot_dimension_numbers<[1], [0], [0], [1], [0, 0, 1, 1], [], []>, transpose_lhs_hint = false} : vector<256x128xf32>, vector<128x256xf32>, vector<256x256xf32> -> vector<256x256xf32>
    %slice3A_712 = vector.extract_strided_slice %dot_general3A_711 {offsets = [0, 0], sizes = [256, 128], strides = [1, 1]} : vector<256x256xf32> to vector<256x128xf32>
    %add3A_713 = arith.addf %slice3A_712, %add3A_706 : vector<256x128xf32>
    %swap3A_714 = arith.constant 0 : index
    %swap3A_715 = arith.constant 7552 : index
    %swap3A_716 = vector.load %arg3[%swap3A_714, %swap3A_715] : memref<256x8192xf32, #tpu.memory_space<vmem>>, vector<256x128xf32>
    tpu.vector_store %arg3[%swap3A_714, %swap3A_715], %add3A_713 {strides = array<i32>} : memref<256x8192xf32, #tpu.memory_space<vmem>>, vector<256x128xf32>,
    %slice3A_717 = vector.extract_strided_slice %dot_general3A_711 {offsets = [0, 128], sizes = [256, 128], strides = [1, 1]} : vector<256x256xf32> to vector<256x128xf32>
    %add3A_718 = arith.addf %add3A_706, %slice3A_717 : vector<256x128xf32>
    %get3A_719 = arith.constant 0 : index
    %get3A_720 = arith.constant 7680 : index
    %get3A_721 = vector.load %arg2[%get3A_719, %get3A_720] : memref<256x8192xf32, #tpu.memory_space<vmem>>, vector<256x128xf32>
    %dot_general3A_722 = arith.constant dense<0.000000e+00> : vector<256x256xf32>
    %dot_general3A_723 = tpu.matmul %get3A_721, %get3A_1, %dot_general3A_722 {dimension_numbers = #tpu.dot_dimension_numbers<[1], [0], [0], [1], [0, 0, 1, 1], [], []>, transpose_lhs_hint = false} : vector<256x128xf32>, vector<128x256xf32>, vector<256x256xf32> -> vector<256x256xf32>
    %slice3A_724 = vector.extract_strided_slice %dot_general3A_723 {offsets = [0, 0], sizes = [256, 128], strides = [1, 1]} : vector<256x256xf32> to vector<256x128xf32>
    %add3A_725 = arith.addf %slice3A_724, %add3A_718 : vector<256x128xf32>
    %swap3A_726 = arith.constant 0 : index
    %swap3A_727 = arith.constant 7680 : index
    %swap3A_728 = vector.load %arg3[%swap3A_726, %swap3A_727] : memref<256x8192xf32, #tpu.memory_space<vmem>>, vector<256x128xf32>
    tpu.vector_store %arg3[%swap3A_726, %swap3A_727], %add3A_725 {strides = array<i32>} : memref<256x8192xf32, #tpu.memory_space<vmem>>, vector<256x128xf32>,
    %slice3A_729 = vector.extract_strided_slice %dot_general3A_723 {offsets = [0, 128], sizes = [256, 128], strides = [1, 1]} : vector<256x256xf32> to vector<256x128xf32>
    %add3A_730 = arith.addf %add3A_718, %slice3A_729 : vector<256x128xf32>
    %get3A_731 = arith.constant 0 : index
    %get3A_732 = arith.constant 7808 : index
    %get3A_733 = vector.load %arg2[%get3A_731, %get3A_732] : memref<256x8192xf32, #tpu.memory_space<vmem>>, vector<256x128xf32>
    %dot_general3A_734 = arith.constant dense<0.000000e+00> : vector<256x256xf32>
    %dot_general3A_735 = tpu.matmul %get3A_733, %get3A_1, %dot_general3A_734 {dimension_numbers = #tpu.dot_dimension_numbers<[1], [0], [0], [1], [0, 0, 1, 1], [], []>, transpose_lhs_hint = false} : vector<256x128xf32>, vector<128x256xf32>, vector<256x256xf32> -> vector<256x256xf32>
    %slice3A_736 = vector.extract_strided_slice %dot_general3A_735 {offsets = [0, 0], sizes = [256, 128], strides = [1, 1]} : vector<256x256xf32> to vector<256x128xf32>
    %add3A_737 = arith.addf %slice3A_736, %add3A_730 : vector<256x128xf32>
    %swap3A_738 = arith.constant 0 : index
    %swap3A_739 = arith.constant 7808 : index
    %swap3A_740 = vector.load %arg3[%swap3A_738, %swap3A_739] : memref<256x8192xf32, #tpu.memory_space<vmem>>, vector<256x128xf32>
    tpu.vector_store %arg3[%swap3A_738, %swap3A_739], %add3A_737 {strides = array<i32>} : memref<256x8192xf32, #tpu.memory_space<vmem>>, vector<256x128xf32>,
    %slice3A_741 = vector.extract_strided_slice %dot_general3A_735 {offsets = [0, 128], sizes = [256, 128], strides = [1, 1]} : vector<256x256xf32> to vector<256x128xf32>
    %add3A_742 = arith.addf %add3A_730, %slice3A_741 : vector<256x128xf32>
    %get3A_743 = arith.constant 0 : index
    %get3A_744 = arith.constant 7936 : index
    %get3A_745 = vector.load %arg2[%get3A_743, %get3A_744] : memref<256x8192xf32, #tpu.memory_space<vmem>>, vector<256x128xf32>
    %dot_general3A_746 = arith.constant dense<0.000000e+00> : vector<256x256xf32>
    %dot_general3A_747 = tpu.matmul %get3A_745, %get3A_1, %dot_general3A_746 {dimension_numbers = #tpu.dot_dimension_numbers<[1], [0], [0], [1], [0, 0, 1, 1], [], []>, transpose_lhs_hint = false} : vector<256x128xf32>, vector<128x256xf32>, vector<256x256xf32> -> vector<256x256xf32>
    %slice3A_748 = vector.extract_strided_slice %dot_general3A_747 {offsets = [0, 0], sizes = [256, 128], strides = [1, 1]} : vector<256x256xf32> to vector<256x128xf32>
    %add3A_749 = arith.addf %slice3A_748, %add3A_742 : vector<256x128xf32>
    %swap3A_750 = arith.constant 0 : index
    %swap3A_751 = arith.constant 7936 : index
    %swap3A_752 = vector.load %arg3[%swap3A_750, %swap3A_751] : memref<256x8192xf32, #tpu.memory_space<vmem>>, vector<256x128xf32>
    tpu.vector_store %arg3[%swap3A_750, %swap3A_751], %add3A_749 {strides = array<i32>} : memref<256x8192xf32, #tpu.memory_space<vmem>>, vector<256x128xf32>,
    %slice3A_753 = vector.extract_strided_slice %dot_general3A_747 {offsets = [0, 128], sizes = [256, 128], strides = [1, 1]} : vector<256x256xf32> to vector<256x128xf32>
    %add3A_754 = arith.addf %add3A_742, %slice3A_753 : vector<256x128xf32>
    %get3A_755 = arith.constant 0 : index
    %get3A_756 = arith.constant 8064 : index
    %get3A_757 = vector.load %arg2[%get3A_755, %get3A_756] : memref<256x8192xf32, #tpu.memory_space<vmem>>, vector<256x128xf32>
    %dot_general3A_758 = arith.constant dense<0.000000e+00> : vector<256x256xf32>
    %dot_general3A_759 = tpu.matmul %get3A_757, %get3A_1, %dot_general3A_758 {dimension_numbers = #tpu.dot_dimension_numbers<[1], [0], [0], [1], [0, 0, 1, 1], [], []>, transpose_lhs_hint = false} : vector<256x128xf32>, vector<128x256xf32>, vector<256x256xf32> -> vector<256x256xf32>
    %slice3A_760 = vector.extract_strided_slice %dot_general3A_759 {offsets = [0, 0], sizes = [256, 128], strides = [1, 1]} : vector<256x256xf32> to vector<256x128xf32>
    %add3A_761 = arith.addf %slice3A_760, %add3A_754 : vector<256x128xf32>
    %swap3A_762 = arith.constant 0 : index
    %swap3A_763 = arith.constant 8064 : index
    %swap3A_764 = vector.load %arg3[%swap3A_762, %swap3A_763] : memref<256x8192xf32, #tpu.memory_space<vmem>>, vector<256x128xf32>
    tpu.vector_store %arg3[%swap3A_762, %swap3A_763], %add3A_761 {strides = array<i32>} : memref<256x8192xf32, #tpu.memory_space<vmem>>, vector<256x128xf32>,
    return
  }
  func.func @transform_0(%arg0: i32) -> (i32, i32) {
    %c0_i32 = arith.constant 0 : i32
    %c0_i32_0 = arith.constant 0 : i32
    %c0_i32_1 = arith.constant 0 : i32
    return %c0_i32, %c0_i32_0 : i32, i32
  }
  func.func @transform_1(%arg0: i32) -> (i32, i32) {
    %c0_i32 = arith.constant 0 : i32
    %c0_i32_0 = arith.constant 0 : i32
    return %arg0, %c0_i32 : i32, i32
  }
  func.func @transform_2(%arg0: i32) -> (i32, i32) {
    %c0_i32 = arith.constant 0 : i32
    %c0_i32_0 = arith.constant 0 : i32
    return %arg0, %c0_i32 : i32, i32
  }
}

</mosaic_0001>

<sc_bundles>
// kernel: kernel.4.cloned.1.call-start
scs
__scs_entry_jumppad:
0x0: {  	(pc) =	sbr.rel $0x88, $3  }
0x1: {  	(tag) =	ssettag $0x0;
	lr =	simm.s32 $0x1  }
0x2: {  	[smem:$0x3FA0] =	sst lr;
	_ =	strace $0xD0000000  }
0x3: {  	_ = 	snop  }
0x4: {  	_ = 	snop  }
0x5: {  	_ = 	snop  }
0x6: {  	_ = 	snop  }
0x7: {  	_ = 	snop  }
__scs_overlays_trampoline_lowered:
0x8: {  	[smem:$0x3FAF] =	sst s0  }
0x9: {  	[smem:$0x3FB0] =	sst s1  }
0xa: {  	[smem:$0x3FB1] =	sst s2  }
0xb: {  	[smem:$0x3FB2] =	sst s3  }
0xc: {  	[smem:$0x3FB3] =	sst s4  }
0xd: {  	[smem:$0x3FB4] =	sst s5  }
0xe: {  	[smem:$0x3FB5] =	sst s6  }
0xf: {  	[smem:$0x3FB6] =	sst s7  }
0x10: {  	[smem:$0x3FB7] =	sst s8  }
0x11: {  	[smem:$0x3FB8] =	sst s9;
	s0 =	simm.s32 @!p0 $0x0  }
0x12: {  	s1 =	sld [smem:$0x3F9E];
	s0 =	simm.s32 @p0 $0x1  }
0x13: {  	[smem:$0x3FB9] =	sst s0;
	s0 =	simm.s32 @!p1 $0x0  }
0x14: {  	s2 =	sld [smem:$0x3F9D];
	s0 =	simm.s32 @p1 $0x1  }
0x15: {  	[smem:$0x3FBA] =	sst s0;
	s0 =	simm.s32 @!p2 $0x0  }
0x16: {  	s3 =	sld [smem:$0x3FDB];
	s0 =	simm.s32 @p2 $0x1  }
0x17: {  	s4 =	simm.s32 $0x1BF5;
	[smem:$0x3FBC] =	sst s0  }
0x18: {  	s0 =	sld [smem:$0x3F9F];
	_ =	swait.ge [sflag:s4], $0x0  }
0x19: {  	s7 =	sld [smem:$0x3FA0]  }
0x1a: {  	s8 =	sadd.s32 $0xFFFFE003, lr  }
0x1b: {  	s9 =	sadd.s32 $0xFFFFFEF7, lr;
	s5 =	simm.s32 $0xFFFFFFFF;
	p2 =	slt.u32 s8, $0xFFFFF086  }
0x1c: {  	p1 =	slt.u32 s9, $0xF7A;
	s5 =	simm.s32 @!p2 $0x0  }
0x1d: {  	s5 =	simm.s32 @p1 $0x1;
	p0 =	seq.s32 s7, s2  }
0x1e: {  	s7 =	smul.u32 @!p0 $0xF7A, s2;
	p2 =	seq.s32 @!p0 s5, $0x0  }
0x1f: {  	s9 =	smul.u32 $0xF7A, s1;
	s8 =	simm.s32 @!p0 $0x1BF5;
	p2 =	por !p2, p0  }
0x20: {  	[sflag:s8] =	ssyncset.s32 @!p0 $0xFFFFF086;
	s6 =	sadd.s32 @!p0 s3, s7;
	s7 =	simm.s32 @!p0 $0x108  }
0x21: {  	s3 =	sadd.s32 s3, s9;
	s6 =	sadd.s32 @!p0 $0x88, s6;
	s7 =	simm.s32 @p2 $0x1082  }
0x22: {  	[simem:s7], [sflag:s8] =	dma.local @!p0 [hbm:s6], $0xF7A  }
0x23: {  	s9 =	sor.u32 $0xD0000000, s2;
	s6 =	simm.s32 $0x108;
	_ =	swait.ge @!p0 [sflag:s8], $0x0  }
0x24: {  	s3 =	sadd.s32 $0x88, s3;
	s6 =	simm.s32 @!p1 $0x1082;
	[sflag:s4] =	ssyncset.s32 $0xFFFFF086  }
0x25: {  	[simem:s6], [sflag:s4] =	dma.local [hbm:s3], $0xF7A  }
0x26: {  	[smem:$0x3FA0] =	sst s1;
	(tag) =	ssettag s2;
	_ =	strace s9  }
0x27: {  	s1 =	sld [smem:$0x3FB0]  }
0x28: {  	s2 =	sld [smem:$0x3FB1]  }
0x29: {  	s4 =	sld [smem:$0x3FB3]  }
0x2a: {  	p0 =	seq.s32 s5, $0x0;
	s5 =	sld [smem:$0x3FB4]  }
0x2b: {  	s6 =	sld [smem:$0x3FB5]  }
0x2c: {  	s7 =	sld [smem:$0x3FB6]  }
0x2d: {  	s3 =	simm.s32 $0x108;
	s8 =	sld [smem:$0x3FB7]  }
0x2e: {  	s3 =	simm.s32 @!p0 $0x1082;
	s9 =	sld [smem:$0x3FB8]  }
0x2f: {  	lr =	sadd.s32 s0, s3;
	s0 =	sld [smem:$0x3FAF]  }
0x30: {  	s3 =	sld [smem:$0x3FB2]  }
0x31: {  	[smem:$0x3FBB] =	sst s10  }
0x32: {  	s10 =	sld [smem:$0x3FB9];
	_ =	sdelay $0x3  }
0x33: {  	p0 =	seq.s32 s10, $0x1;
	s10 =	sld [smem:$0x3FBB];
	_ =	sdelay $0x3  }
0x34: {  	[smem:$0x3FBB] =	sst s10  }
0x35: {  	s10 =	sld [smem:$0x3FBA];
	_ =	sdelay $0x3  }
0x36: {  	p1 =	seq.s32 s10, $0x1;
	s10 =	sld [smem:$0x3FBB];
	_ =	sdelay $0x3  }
0x37: {  	[smem:$0x3FBB] =	sst s10  }
0x38: {  	s10 =	sld [smem:$0x3FBC]  }
0x39: {  	_ = 	snop;
	(pc) =	sbr.ind lr, $3  }
0x3a: {  	_ = 	snop  }
0x3b: {  	_ = 	snop  }
0x3c: {  	p2 =	seq.s32 s10, $0x1;
	s10 =	sld [smem:$0x3FBB]  }
0x3d: {  	_ =	shalt  }
0x3e: {  	_ =	shalt  }
0x3f: {  	_ =	shalt  }
0x40: {  	_ =	shalt  }
0x41: {  	_ =	shalt  }
0x42: {  	_ =	shalt  }
0x43: {  	_ =	shalt  }
0x44: {  	_ =	shalt  }
0x45: {  	_ =	shalt  }
0x46: {  	_ =	shalt  }
0x47: {  	_ =	shalt  }
0x48: {  	_ =	shalt  }
0x49: {  	_ =	shalt  }
0x4a: {  	_ =	shalt  }
0x4b: {  	_ =	shalt  }
0x4c: {  	_ =	shalt  }
0x4d: {  	_ =	shalt  }
0x4e: {  	_ =	shalt  }
0x4f: {  	_ =	shalt  }
0x50: {  	_ =	shalt  }
0x51: {  	_ =	shalt  }
0x52: {  	_ =	shalt  }
0x53: {  	_ =	shalt  }
0x54: {  	_ =	shalt  }
0x55: {  	_ =	shalt  }
0x56: {  	_ =	shalt  }
0x57: {  	_ =	shalt  }
0x58: {  	_ =	shalt  }
0x59: {  	_ =	shalt  }
0x5a: {  	_ =	shalt  }
0x5b: {  	_ =	shalt  }
0x5c: {  	_ =	shalt  }
0x5d: {  	_ =	shalt  }
0x5e: {  	_ =	shalt  }
0x5f: {  	_ =	shalt  }
0x60: {  	_ =	shalt  }
0x61: {  	_ =	shalt  }
0x62: {  	_ =	shalt  }
0x63: {  	_ =	shalt  }
0x64: {  	_ =	shalt  }
0x65: {  	_ =	shalt  }
0x66: {  	_ =	shalt  }
0x67: {  	_ =	shalt  }
0x68: {  	_ =	shalt  }
0x69: {  	_ =	shalt  }
0x6a: {  	_ =	shalt  }
0x6b: {  	_ =	shalt  }
0x6c: {  	_ =	shalt  }
0x6d: {  	_ =	shalt  }
0x6e: {  	_ =	shalt  }
0x6f: {  	_ =	shalt  }
0x70: {  	_ =	shalt  }
0x71: {  	_ =	shalt  }
0x72: {  	_ =	shalt  }
0x73: {  	_ =	shalt  }
0x74: {  	_ =	shalt  }
0x75: {  	_ =	shalt  }
0x76: {  	_ =	shalt  }
0x77: {  	_ =	shalt  }
0x78: {  	_ =	shalt  }
0x79: {  	_ =	shalt  }
0x7a: {  	_ =	shalt  }
0x7b: {  	_ =	shalt  }
0x7c: {  	_ =	shalt  }
0x7d: {  	_ =	shalt  }
0x7e: {  	_ =	shalt  }
0x7f: {  	_ =	shalt  }
0x80: {  	_ =	shalt  }
0x81: {  	_ =	shalt  }
0x82: {  	_ =	shalt  }
0x83: {  	_ =	shalt  }
0x84: {  	_ =	shalt  }
0x85: {  	_ =	shalt  }
0x86: {  	_ =	shalt  }
0x87: {  	_ =	shalt  }
.Lfunc_end0:
.L_simem_size_0:
called_computation_lowered:
.L_overlay_start_0:
0x88: {  	s2 =	sld [smem:$0x3FD9]  }
0x89: {  	s3 =	sld [smem:$0x3FFE];
	_ =	sdelay $0x1  }
0x8a: {  	s1 =	srdreg.scid  }
0x8b: {  	s0 =	sand.u32 $0x1, s1  }
0x8c: {  	s15 =	sshll.u32 s0, $0xA;
	s2 =	sadd.s32 s3, s2  }
0x8d: {  	s2 =	sadd.s32 s2, s15  }
0x8e: {  	[smem:$0x3FC7] =	sst s2  }
0x8f: {  	_ = 	snop  }
0x90: {  	s2 =	sld [smem:$0x3FD0];
	_ =	sdelay $0x2  }
0x91: {  	s4 =	simm.s32 $0xA;
	s5 =	simm.s32 $0x10;
	s16 =	sld [smem:$0x3FC9]  }
0x92: {  	[smem:s5], [sflag:s4] =	dma.local [hbm:s2], $0x1  }
0x93: {  	_ =	swait.eq [sflag:s4], $0x1  }
0x94: {  	[sflag:s4] =	ssyncset.done $0x0  }
0x95: {  	[sflag:s4] =	ssyncadd.s32 $0xFFFFFFFF  }
0x96: {  	s17 =	sld [smem:$0x11];
	(tm) =	ssettm $0x1  }
0x97: {  	s18 =	sld [smem:$0x3FFB];
	_ =	sdelay $0x3  }
0x98: {  	_ =	strace s18  }
0x99: {  	s4 =	sld [smem:$0x3FFC];
	_ =	sdelay $0x3  }
0x9a: {  	_ =	strace s4  }
0x9b: {  	s4 =	sld [smem:$0x3FFD];
	_ =	sdelay $0x3  }
0x9c: {  	_ =	strace s4  }
0x9d: {  	_ =	strace $0x8FFFFFFF  }
0x9e: {  	s19 =	sld [smem:$0x3FDB];
	_ =	sdelay $0x1  }
0x9f: {  	s20 =	simm.s32 $_scs_section_size  }
0xa0: {  	s6 =	simm.s32 $_size__tile_overlayer_lowered;
	s7 =	simm.s32 $_tile_overlayer_lowered  }
0xa1: {  	s23 =	simm.s32 $0x1BFF;
	s22 =	sshll.u32 s7, $0x1;
	s4 =	sadd.s32 s20, s19  }
0xa2: {  	s8 =	simm.s32 $0x0;
	s21 =	sshll.u32 s6, $0x1;
	s6 =	sadd.s32 s22, s4  }
0xa3: {  	[timem:s8], [sflag:s23] =	dma.local [hbm:s6], s21  }
0xa4: {  	_ =	swait.ge [sflag:s23], s21  }
0xa5: {  	s5 =	ssub.s32 $0x0, s21;
	[sflag:s23] =	ssyncset.done $0x0  }
0xa6: {  	[sflag:s23] =	ssyncadd.s32 s5;
	_ =	sdelay $0x1  }
0xa7: {  	s24 =	simm.s32 $0x1B8B  }
0xa8: {  	_ =	swait.ge [sflag:s24], $0x1  }
0xa9: {  	[sflag:s24] =	ssyncset.done $0x0  }
0xaa: {  	s25 =	simm.s32 $0x1B8E;
	[sflag:s24] =	ssyncadd.s32 $0xFFFFFFFF  }
0xab: {  	s26 =	simm.s32 $execute0_lowered;
	[smem:$0x3FD2] =	sst s25  }
0xac: {  	s5 =	sshll.u32 s26, $0x1;
	_ =	strace $0x80000046;
	[dreg:$0x1] =	wrdreg $0xFFFFFFFF  }
0xad: {  	s28 =	simm.s32 $_size_execute0_lowered;
	s4 =	sadd.s32 s4, s5;
	[dreg:$0x0] =	wrdreg $0x0  }
0xae: {  	s5 =	sshll.u32 s28, $0x1;
	[dreg:$0x2] =	wrdreg s4  }
0xaf: {  	[dreg:$0x3] =	wrdreg s5  }
0xb0: {  	[dreg:$0x4] =	wrdreg $0xC0  }
0xb1: {  	_ =	task [dreg:s8], $0x5FFFF  }
0xb2: {  	[dreg:$0x1] =	wrdreg $0xFFFFFFFF  }
0xb3: {  	[dreg:$0x0] =	wrdreg $0x60  }
0xb4: {  	[dreg:$0x2] =	wrdreg s16  }
0xb5: {  	[dreg:$0x3] =	wrdreg s17  }
0xb6: {  	[dreg:$0x4] =	wrdreg $0x9  }
0xb7: {  	_ =	task.clear_ibuf [dreg:s8], $0x5FFFF;
	_ =	strace $0x90000046  }
0xb8: {  	s29 =	simm.s32 $0x9;
	_ =	strace $0x80000048  }
0xb9: {  	_ =	swait.ge [sflag:s29], $0x1  }
0xba: {  	[sflag:s29] =	ssyncadd.s32 $0xFFFFFFFF  }
0xbb: {  	_ =	strace $0x90000048  }
0xbc: {  	_ =	sfence  }
0xbd: {  	s30 =	sld [smem:$0x0];
	_ =	sdelay $0x2  }
0xbe: {  	s31 =	sshll.u32 s1, $0xD;
	s1 =	sshrl.u32 s1, $0x2  }
0xbf: {  	s3 =	sand.u32 $0x4000, s31;
	s1 =	sadd.s32 s1, s30  }
0xc0: {  	s0 =	sor.u32 s3, s0;
	s1 =	sshll.u32 s1, $0x11  }
0xc1: {  	s0 =	sor.u32 s1, s0  }
0xc2: {  	s0 =	sadd.s32 $0x8F2B, s0  }
0xc3: {  	[sflag:s0] =	ssyncadd.remote.s32 $0x1  }
0xc4: {  	_ =	sfence.sel $0xFFFF  }
0xc5: {  	[dreg:$0x0] =	wrdreg $0xFFFFFFFF;
	(pc) =	sbr.abs _section_cstart, $3  }
0xc6: {  	[dreg:$0x1] =	wrdreg $0xFFFFFFFF  }
0xc7: {  	_ =	task.clear_ibuf [dreg:s8], $0x2FFFF;
	_ =	strace $0x9FFFFFFF  }
0xc8: {  	(tm) =	ssettm $0x7FFFFFFF  }
0xc9: {  	_ =	shalt  }
tec
execute0_lowered:
.L_overlay_start_1:
0x0: {  	(tag) =	ssettag $0x1  }
0x1: {  	s1 =	rddreg [dreg:$0x0]  }
0x2: {  	s3 =	rddreg [dreg:$0x1];
	s5 =	srdreg.scid  }
0x3: {  	s4 =	simm.s32 $0x0;
	s2 =	stileid.u32;
	s9 =	simm.s32 $0x100  }
0x4: {  	s10 =	simm.s32 $0x400;
	s11 =	simm.s32 $0x4000;
	s12 =	simm.s32 $0x1  }
0x5: {  	s13 =	simm.s32 $0x8000;
	s14 =	simm.s32 $0x2;
	s15 =	simm.s32 $0x4  }
0x6: {  	s16 =	simm.s32 $0xC000;
	s17 =	simm.s32 $0x3;
	s5 =	sand.u32 $0x1, s5  }
0x7: {  	s7 =	sshll.u32 s2, $0x9;
	s6 =	ssub.s32 $0x2, s5;
	s5 =	sshll.u32 s5, $0x8  }
0x8: {  	s18 =	simm.s32 $0x0;
	s8 =	sshrl.u32 s6, $0x1;
	s5 =	sor.u32 s5, s7  }
0x9: {  	[smem:$0x7FF] =	sst s4;
	s8 =	ssub.s32 s6, s8;
	s6 =	sshll.u32 s5, $0xA  }
0xa: {  	v0 =	vimm.s32 $0xF;
	_ =	strace $0x80000047;
	s7 =	sadd.s32 s1, s6;
	s8 =	smax.u32 s8, $0x1  }
.LBB2_1:
0xb: {  	[tilespmem:s4], [sflag:$0x1] =	stream.strided.gather [hbm4b:s7+s9], $0x4000, s10, s9, $0x38;
	[tilespmem:$0x10000] =	vst v63  }
0xc: {  	s19 =	simm.s32 $0x0  }
.LBB2_2:
0xd: {  	s20 =	sshll.u32 s19, $0xC  }
0xe: {  	s22 =	sshll.u32 s19, $0x6;
	s20 =	sand.u32 $0x3E000, s20  }
0xf: {  	s22 =	sand.u32 $0x40, s22;
	s21 =	sor.u32 s6, s20  }
0x10: {  	s20 =	sor.u32 s22, s21  }
0x11: {  	s20 =	sor.u32 $0x20, s20  }
0x12: {  	s23 =	sadd.s32 s1, s20  }
0x13: {  	[tilespmem:s11], [sflag:$0x2] =	stream.strided.gather [hbm4b:s23+s9], $0x4000, s10, s9, $0x38;
	[tilespmem:$0x10000] =	vst v63  }
0x14: {  	_ =	swait.ge [sflag:s12], $0x4000  }
0x15: {  	p0 =	seq.s32 s19, $0x0;
	[sflag:s12] =	ssyncset.done $0x0  }
0x16: {  	s23 =	simm.s32 @!p0 $0x3;
	[sflag:s12] =	ssyncadd.s32 $0xFFFFC000  }
0x17: {  	s24 =	simm.s32 $0x0;
	_ =	swait.ge @!p0 [sflag:s23], $0x4000  }
0x18: {  	s25 =	sand.u32 $0x70, s24;
	s24 =	sand.u32 $0x3F00, s24;
	[sflag:s23] =	ssyncset.done @!p0 $0x0  }
0x19: {  	[sflag:s23] =	ssyncadd.s32 @!p0 $0xFFFFC000;
	s23 =	sor.u32 s25, s24  }
0x1a: {  	v1 =	vld [tilespmem:s23+$0x0];
	_ =	sdelay $0x1  }
0x1b: {  	v2 =	vld [tilespmem:s23+$0x80]  }
0x1c: {  	s26 =	simm.s32 $0x10;
	s31 =	simm.s32 $0x20  }
0x1d: {  	s24 =	sand.u32 $0x70, s26;
	s25 =	sand.u32 $0x3F00, s31  }
0x1e: {  	s24 =	sor.u32 s24, s25;
	(xrf2) =	vadd.scan.msk.f32 $0xffff, v1  }
0x1f: {  	v3 =	vld [tilespmem:s24+$0x0]  }
0x20: {  	(xrf2) =	vadd.scan.msk.f32 $0xffff, v2;
	_ =	sdelay $0x1  }
0x21: {  	s0 =	simm.s32 $0x20;
	s26 =	simm.s32 $0x40  }
0x22: {  	s25 =	sand.u32 $0x70, s0;
	s26 =	sand.u32 $0x3F00, s26;
	v1 =	vld [tilespmem:s24+$0x80]  }
0x23: {  	s25 =	sor.u32 s25, s26;
	(xrf2) =	vadd.scan.msk.f32 $0xffff, v3  }
0x24: {  	v2 =	vld [tilespmem:s25+$0x0]  }
0x25: {  	v4 =	vld [tilespmem:s25+$0x80];
	_ =	sdelay $0x1  }
0x26: {  	v3, _, _ =	vpop (xrf2);
	(xrf2) =	vadd.scan.msk.f32 $0xffff, v1  }
0x27: {  	s28 =	simm.s32 $0x60;
	s31 =	simm.s32 $0x30  }
0x28: {  	s28 =	sand.u32 $0x3F00, s28;
	s26 =	sand.u32 $0x70, s31;
	v6, _, _ =	vpop (xrf2);
	(xrf2) =	vadd.scan.msk.f32 $0xffff, v2  }
0x29: {  	v5 =	vimm.f32 $0.0e+00;
	s26 =	sor.u32 s26, s28;
	(xrf2) =	vadd.scan.msk.f32 $0xffff, v4  }
0x2a: {  	v1 =	vld [tilespmem:s26+$0x0];
	v7 =	vadd.f32 v3, v5;
	v3 =	vadd.f32 v6, v5;
	_ =	sdelay $0x1  }
0x2b: {  	s29 =	simm.s32 $0x40;
	s30 =	simm.s32 $0x80;
	s28 =	sshll.u32 s19, $0x2;
	v2 =	vld [tilespmem:s26+$0x80];
	v4, _, _ =	vpop (xrf2);
	[tilespmem:s23+$0x8000] =	vst v7;
	v5 =	vperm.xlane v7, v0;
	v6 =	vperm.xlane v3, v0  }
.LBB2_3:
0x2c: {  	s31 =	sand.u32 $0x70, s29  }
0x2d: {  	s0 =	sand.u32 $0x3F00, s30;
	[tilespmem:s23+$0x8080] =	vst v3;
	s23 =	smov.u32 s24;
	p1 =	sne.s32 s29, $0x1FF0  }
.Ltmp0:
0x2e: {  	s24 =	smov.u32 s25;
	s0 =	sor.u32 s31, s0;
	(xrf2) =	vadd.scan.msk.f32 $0xffff, v1;
	(pc) =	sbr.rel @p1 .LBB2_3-.Ltmp0, $4  }
0x2f: {  	s25 =	smov.u32 s26;
	v1 =	vld [tilespmem:s0+$0x0];
	v3, _, _ =	vpop (xrf2);
	s26 =	smov.u32 s0  }
0x30: {  	s29 =	sadd.s32 $0x10, s29;
	v5 =	vadd.f32 v4, v5;
	v3 =	vadd.f32 v3, v6  }
0x31: {  	(xrf2) =	vadd.scan.msk.f32 $0xffff, v2  }
0x32: {  	s30 =	sadd.s32 $0x20, s30;
	v2 =	vld [tilespmem:s26+$0x80];
	v4, _, _ =	vpop (xrf2);
	[tilespmem:s23+$0x8000] =	vst v5;
	v5 =	vperm.xlane v5, v0;
	v6 =	vperm.xlane v3, v0  }
0x33: {  	_ =	sdelay $0x2  }
0x34: {  	(xrf2) =	vadd.scan.msk.f32 $0xffff, v1  }
0x35: {  	(xrf2) =	vadd.scan.msk.f32 $0xffff, v2;
	_ =	sdelay $0x1  }
0x36: {  	v1, _, _ =	vpop (xrf2);
	v2 =	vadd.f32 v4, v5  }
0x37: {  	v1 =	vadd.f32 v1, v6  }
0x38: {  	v4 =	vperm.xlane v2, v0  }
0x39: {  	v6 =	vperm.xlane v1, v0;
	v61, _, _ =	vpop (xrf2)  }
0x3a: {  	v4 =	vadd.f32 v61, v4;
	v62, _, _ =	vpop (xrf2)  }
0x3b: {  	[tilespmem:s23+$0x8080] =	vst v3;
	v3 =	vadd.f32 v62, v6  }
0x3c: {  	[tilespmem:s24+$0x8000] =	vst v2;
	v2 =	vperm.xlane v4, v0  }
0x3d: {  	p1 =	sne.s32 s19, $0x3F;
	[tilespmem:s24+$0x8080] =	vst v1;
	v1, _, _ =	vpop (xrf2);
	v5 =	vperm.xlane v3, v0  }
.Ltmp1:
0x3e: {  	[tilespmem:s25+$0x8000] =	vst v4;
	v1 =	vadd.f32 v1, v2;
	v63, _, _ =	vpop (xrf2);
	(pc) =	sbr.rel @p1 .LBB2_6-.Ltmp1, $4  }
0x3f: {  	[tilespmem:s25+$0x8080] =	vst v3;
	v2 =	vadd.f32 v63, v5  }
0x40: {  	s0 =	sadd.s32 s3, s22;
	[tilespmem:s26+$0x8000] =	vst v1  }
0x41: {  	s0 =	sadd.s32 s21, s0;
	[tilespmem:s26+$0x8080] =	vst v2  }
0x42: {  	[hbm4b:s0+s9] =	stream.strided.scatter [tilespmem:s13], [sflag:$0x3], $0x4000, s10, s9, $0x38;
	[tilespmem:$0x10000] =	vst v63  }
.Ltmp2:
0x43: {  	(pc) =	sbr.rel .LBB2_7-.Ltmp2, $4  }
0x44: {  	_ = 	snop  }
0x45: {  	_ =	swait.ge [sflag:s14], $0x4000  }
0x46: {  	[sflag:s14] =	ssyncset.done $0x0  }
0x47: {  	[sflag:s14] =	ssyncadd.s32 $0xFFFFC000  }
.LBB2_6:
0x48: {  	s0 =	sadd.s32 $0x4, s28  }
0x49: {  	s21 =	sadd.s32 s5, s0;
	s0 =	sshll.u32 s0, $0x4  }
0x4a: {  	s21 =	sshll.u32 s21, $0xA;
	s0 =	sand.u32 $0x40, s0  }
0x4b: {  	s21 =	sand.u32 $0xFFE000, s21;
	s0 =	sadd.s32 s1, s0  }
.Ltmp3:
0x4c: {  	s0 =	sadd.s32 s21, s0;
	(pc) =	sbr.rel @p0 .LBB2_8-.Ltmp3, $4  }
0x4d: {  	[tilespmem:s4], [sflag:$0x1] =	stream.strided.gather [hbm4b:s0+s9], $0x4000, s10, s9, $0x38;
	[tilespmem:$0x10000] =	vst v63  }
0x4e: {  	_ =	swait.ge [sflag:s14], $0x4000  }
0x4f: {  	[sflag:s14] =	ssyncset.done $0x0  }
0x50: {  	[sflag:s14] =	ssyncadd.s32 $0xFFFFC000  }
.LBB2_7:
0x51: {  	_ =	swait.ge [sflag:s15], $0x4000  }
0x52: {  	[sflag:s15] =	ssyncset.done $0x0  }
0x53: {  	[sflag:s15] =	ssyncadd.s32 $0xFFFFC000  }
.LBB2_8:
0x54: {  	s0 =	simm.s32 $0x0  }
0x55: {  	s21 =	sand.u32 $0x70, s0;
	s0 =	sand.u32 $0x3F00, s0  }
0x56: {  	s21 =	sor.u32 s21, s0  }
0x57: {  	v1 =	vld [tilespmem:s21+$0x4000];
	_ =	sdelay $0x1  }
0x58: {  	v2 =	vld [tilespmem:s21+$0x4080]  }
0x59: {  	s29 =	simm.s32 $0x10;
	s22 =	simm.s32 $0x20  }
0x5a: {  	s22 =	sand.u32 $0x3F00, s22;
	s0 =	sand.u32 $0x70, s29  }
0x5b: {  	s22 =	sor.u32 s0, s22;
	(xrf2) =	vadd.scan.msk.f32 $0xffff, v1  }
0x5c: {  	v3 =	vld [tilespmem:s22+$0x4000]  }
0x5d: {  	(xrf2) =	vadd.scan.msk.f32 $0xffff, v2;
	_ =	sdelay $0x1  }
0x5e: {  	s30 =	simm.s32 $0x20;
	s23 =	simm.s32 $0x40  }
0x5f: {  	s23 =	sand.u32 $0x3F00, s23;
	s0 =	sand.u32 $0x70, s30;
	v1 =	vld [tilespmem:s22+$0x4080]  }
0x60: {  	s23 =	sor.u32 s0, s23;
	(xrf2) =	vadd.scan.msk.f32 $0xffff, v3  }
0x61: {  	v2 =	vld [tilespmem:s23+$0x4000]  }
0x62: {  	v4 =	vld [tilespmem:s23+$0x4080];
	_ =	sdelay $0x1  }
0x63: {  	v3, _, _ =	vpop (xrf2);
	(xrf2) =	vadd.scan.msk.f32 $0xffff, v1  }
0x64: {  	s31 =	simm.s32 $0x30;
	s24 =	simm.s32 $0x60  }
0x65: {  	s24 =	sand.u32 $0x3F00, s24;
	s0 =	sand.u32 $0x70, s31;
	v6, _, _ =	vpop (xrf2);
	(xrf2) =	vadd.scan.msk.f32 $0xffff, v2  }
0x66: {  	v5 =	vimm.f32 $0.0e+00;
	s24 =	sor.u32 s0, s24;
	(xrf2) =	vadd.scan.msk.f32 $0xffff, v4  }
0x67: {  	v1 =	vld [tilespmem:s24+$0x4000];
	v7 =	vadd.f32 v3, v5;
	v3 =	vadd.f32 v6, v5;
	_ =	sdelay $0x1  }
0x68: {  	s25 =	simm.s32 $0x40;
	s26 =	simm.s32 $0x80;
	v2 =	vld [tilespmem:s24+$0x4080];
	v4, _, _ =	vpop (xrf2);
	[tilespmem:s21+$0xC000] =	vst v7;
	v5 =	vperm.xlane v7, v0;
	v6 =	vperm.xlane v3, v0  }
.LBB2_9:
0x69: {  	s0 =	sand.u32 $0x70, s25  }
0x6a: {  	s28 =	sand.u32 $0x3F00, s26;
	[tilespmem:s21+$0xC080] =	vst v3;
	s21 =	smov.u32 s22;
	p0 =	sne.s32 s25, $0x1FF0  }
.Ltmp4:
0x6b: {  	s22 =	smov.u32 s23;
	s0 =	sor.u32 s0, s28;
	(xrf2) =	vadd.scan.msk.f32 $0xffff, v1;
	(pc) =	sbr.rel @p0 .LBB2_9-.Ltmp4, $4  }
0x6c: {  	s23 =	smov.u32 s24;
	v1 =	vld [tilespmem:s0+$0x4000];
	v3, _, _ =	vpop (xrf2);
	s24 =	smov.u32 s0  }
0x6d: {  	s25 =	sadd.s32 $0x10, s25;
	v5 =	vadd.f32 v4, v5;
	v3 =	vadd.f32 v3, v6  }
0x6e: {  	(xrf2) =	vadd.scan.msk.f32 $0xffff, v2  }
0x6f: {  	s26 =	sadd.s32 $0x20, s26;
	v2 =	vld [tilespmem:s24+$0x4080];
	v4, _, _ =	vpop (xrf2);
	[tilespmem:s21+$0xC000] =	vst v5;
	v5 =	vperm.xlane v5, v0;
	v6 =	vperm.xlane v3, v0  }
0x70: {  	_ =	sdelay $0x2  }
0x71: {  	(xrf2) =	vadd.scan.msk.f32 $0xffff, v1  }
0x72: {  	(xrf2) =	vadd.scan.msk.f32 $0xffff, v2;
	_ =	sdelay $0x1  }
0x73: {  	v1, _, _ =	vpop (xrf2);
	v2 =	vadd.f32 v4, v5  }
0x74: {  	v1 =	vadd.f32 v1, v6  }
0x75: {  	v4 =	vperm.xlane v2, v0  }
0x76: {  	v6 =	vperm.xlane v1, v0;
	v61, _, _ =	vpop (xrf2)  }
0x77: {  	v4 =	vadd.f32 v61, v4;
	v62, _, _ =	vpop (xrf2)  }
0x78: {  	[tilespmem:s21+$0xC080] =	vst v3;
	v3 =	vadd.f32 v62, v6  }
0x79: {  	s19 =	sadd.s32 $0x1, s19;
	[tilespmem:s22+$0xC000] =	vst v2;
	v2 =	vperm.xlane v4, v0  }
0x7a: {  	p0 =	sne.s32 s19, $0x40;
	[tilespmem:s22+$0xC080] =	vst v1;
	v1, _, _ =	vpop (xrf2);
	v5 =	vperm.xlane v3, v0  }
.Ltmp5:
0x7b: {  	[tilespmem:s23+$0xC000] =	vst v4;
	v1 =	vadd.f32 v1, v2;
	v63, _, _ =	vpop (xrf2);
	(pc) =	sbr.rel @p0 .LBB2_2-.Ltmp5, $4  }
0x7c: {  	[tilespmem:s23+$0xC080] =	vst v3;
	v2 =	vadd.f32 v63, v5  }
0x7d: {  	[tilespmem:s24+$0xC000] =	vst v1  }
0x7e: {  	s0 =	sadd.s32 s3, s20;
	[tilespmem:s24+$0xC080] =	vst v2  }
0x7f: {  	[hbm4b:s0+s9] =	stream.strided.scatter [tilespmem:s16], [sflag:$0x4], $0x4000, s10, s9, $0x38;
	[tilespmem:$0x10000] =	vst v63  }
0x80: {  	s18 =	sadd.s32 $0x1, s18  }
0x81: {  	_ =	swait.ge [sflag:s17], $0x4000;
	p0 =	sne.s32 s18, s8  }
.Ltmp6:
0x82: {  	[sflag:s17] =	ssyncset.done $0x0;
	(pc) =	sbr.rel @p0 .LBB2_1-.Ltmp6, $4  }
0x83: {  	[sflag:s17] =	ssyncadd.s32 $0xFFFFC000  }
0x84: {  	_ =	swait.ge [sflag:s15], $0x4000  }
0x85: {  	[sflag:s15] =	ssyncset.done $0x0  }
0x86: {  	[sflag:s15] =	ssyncadd.s32 $0xFFFFC000  }
0x87: {  	_ =	sfence.sel $0x180000  }
0x88: {  	[bflag:$0x0] =	sbarrier.arrive $0xFFFF  }
0x89: {  	_ =	strace $0x90000047  }
0x8a: {  	[bflag:$0x2] =	sbarrier.arrive $0xFFFF  }
0x8b: {  	p0 =	sne.s32 s2, $0x0;
	s0 =	rddreg [dreg:$0x2]  }
0x8c: {  	s0 =	sadd.s32 @!p0 $0x100000, s0  }
0x8d: {  	[sflag:s0] =	ssyncadd.tile.s32 @!p0 $0x1;
	_ =	shalt  }
.Lfunc_end2:
_tile_overlayer_lowered:
.L_overlay_start_2:
0x8e: {  	(tag) =	ssettag $0x2  }
0x8f: {  	s0 =	rddreg [dreg:$0x0];
	s2 =	stileid.u32  }
0x90: {  	s1 =	rddreg [dreg:$0x1];
	p0 =	sne.s32 s2, $0x0  }
0x91: {  	s3 =	rddreg [dreg:$0x2];
	[bflag:$0x3] =	sbarrier.arrive $0xFFFF;
	s2 =	simm.s32 @!p0 $0x1C05  }
0x92: {  	[timem:s3], [sflag:s2] =	dma.local @!p0 [hbm:s0], s1  }
0x93: {  	s0 =	simm.s32 @!p0 $0x5  }
0x94: {  	_ =	swait.ge @!p0 [sflag:s0], s1  }
0x95: {  	s1 =	ssub.s32 @!p0 $0x0, s1;
	[sflag:s0] =	ssyncset.done @!p0 $0x0  }
0x96: {  	[sflag:s0] =	ssyncadd.s32 @!p0 s1  }
0x97: {  	[bflag:$0x3] =	sbarrier.arrive $0xFFFF  }
0x98: {  	_ =	shalt  }

</sc_bundles>
